<compile_context>
chip_gen: v7x
topology: tpu7x:2x2x1
jax: 0.10.2.dev20260603
libtpu: 0.0.44.dev20260713+nightly
codegen_flags: <defaults>
</compile_context>

<pallas_src>
import functools

import jax
import jax.numpy as jnp
from jax import lax
from jax.experimental import pallas as pl
from jax.experimental.pallas import tpu as pltpu
from jax.experimental.pallas import tpu_sc as plsc

N = 10000
E = 320000
D = 128
G = 128
C = 10
NUM_LAYERS = 3

_NC = 2
_NS = 16
_NW = _NC * _NS
_EPW = E // _NW
_K = 80
_STEPS = _EPW // _K
_RPS = 624
_REM = N - _NS * _RPS


def _mp_body(x_hbm, src_hbm, dst_hbm, out_hbm, src_v, dst_v, rows_v, agg_sh, sem):
    c = lax.axis_index("c")
    s = lax.axis_index("s")
    wid = s * _NC + c
    pltpu.sync_copy(x_hbm.at[pl.ds(s * _RPS, _RPS)],
                    agg_sh.at[pl.ds(s * _RPS, _RPS)])

    @pl.when(s == 0)
    def _():
        pltpu.sync_copy(x_hbm.at[pl.ds(_NS * _RPS, _REM)],
                        agg_sh.at[pl.ds(_NS * _RPS, _REM)])

    plsc.subcore_barrier()

    base0 = wid * _EPW

    def step(g, carry):
        base = base0 + g * _K
        pltpu.sync_copy(src_hbm.at[pl.ds(base, _K)], src_v)
        pltpu.sync_copy(dst_hbm.at[pl.ds(base, _K)], dst_v)
        pltpu.async_copy(x_hbm.at[src_v], rows_v, sem).wait()
        pltpu.sync_copy(rows_v, agg_sh.at[dst_v], add=True)
        return carry

    lax.fori_loop(0, _STEPS, step, 0)
    plsc.subcore_barrier()
    pltpu.sync_copy(agg_sh.at[pl.ds(s * _RPS, _RPS)],
                    out_hbm.at[pl.ds(c * N + s * _RPS, _RPS)])

    @pl.when(s == 0)
    def _():
        pltpu.sync_copy(agg_sh.at[pl.ds(_NS * _RPS, _REM)],
                        out_hbm.at[pl.ds(c * N + _NS * _RPS, _REM)])


_mp_call = functools.partial(
    pl.kernel,
    out_type=jax.ShapeDtypeStruct((2 * N, D), jnp.float32),
    mesh=plsc.VectorSubcoreMesh(core_axis_name="c", subcore_axis_name="s"),
    scratch_types=[
        pltpu.VMEM((_K,), jnp.int32),
        pltpu.VMEM((_K,), jnp.int32),
        pltpu.VMEM((_K, D), jnp.float32),
        pltpu.VMEM_SHARED((N, D), jnp.float32),
        pltpu.SemaphoreType.DMA,
    ],
)(_mp_body)


def _dense_body(last, x_ref, p0_ref, p1_ref, w1_ref, b1_ref, g_ref, bt_ref,
                w2_ref, b2_ref, em1_ref, *rest):
    if last:
        batch_ref, wout_ref, bout_ref, o_ref = rest
    else:
        (o_ref,) = rest
    h = p0_ref[...] + p1_ref[...] + em1_ref[0, 0] * x_ref[...]
    h = jnp.dot(h, w1_ref[...], preferred_element_type=jnp.float32) + b1_ref[...]
    mu = jnp.mean(h, axis=0, keepdims=True)
    var = jnp.mean((h - mu) ** 2, axis=0, keepdims=True)
    h = (h - mu) * lax.rsqrt(var + 1e-5) * g_ref[...] + bt_ref[...]
    h = jnp.maximum(h, 0.0)
    h = jnp.dot(h, w2_ref[...], preferred_element_type=jnp.float32) + b2_ref[...]
    if not last:
        o_ref[...] = jnp.maximum(h, 0.0)
        return
    gids = lax.broadcasted_iota(jnp.int32, (1, G), 1)
    onehot = (batch_ref[...] == gids).astype(jnp.float32)
    sums = lax.dot_general(onehot, h, (((0,), (0,)), ((), ())),
                           preferred_element_type=jnp.float32)
    cnt = lax.dot_general(onehot, jnp.ones((N, 1), jnp.float32),
                          (((0,), (0,)), ((), ())),
                          preferred_element_type=jnp.float32)
    hg = sums / jnp.maximum(cnt, 1.0)
    o_ref[...] = (jnp.dot(hg, wout_ref[...], preferred_element_type=jnp.float32)
                  + bout_ref[...])


_dense_mid = pl.pallas_call(
    functools.partial(_dense_body, False),
    out_shape=jax.ShapeDtypeStruct((N, D), jnp.float32),
)

_dense_last = pl.pallas_call(
    functools.partial(_dense_body, True),
    out_shape=jax.ShapeDtypeStruct((G, C), jnp.float32),
)


def kernel(x, edge_index, batch, W1, b1, gamma1, beta1, W2, b2, eps, W_out, b_out):
    src = edge_index[0].astype(jnp.int32)
    dst = edge_index[1].astype(jnp.int32)
    batch2 = batch.astype(jnp.int32).reshape(N, 1)
    cur = x
    for l in range(NUM_LAYERS):
        parts = _mp_call(cur, src, dst)
        p0, p1 = parts[:N], parts[N:]
        em1 = (eps[l] - 1.0).reshape(1, 1)
        args = (cur, p0, p1, W1[l], b1[l].reshape(1, D), gamma1[l].reshape(1, D),
                beta1[l].reshape(1, D), W2[l], b2[l].reshape(1, D), em1)
        if l < NUM_LAYERS - 1:
            cur = _dense_mid(*args)
        else:
            out = _dense_last(*args, batch2, W_out, b_out.reshape(1, C))
    return out

# --- scband reference (transcript-rebuilt; emitter-appended) ---
"""Pipeline reference for scband-gnn-41094247088181 (READ-ONLY COPY).

The authoritative reference and input builder live on the scoring server;
editing this copy changes nothing except your own understanding.
"""

import jax, jax.numpy as jnp
import numpy as np

N = 10000
E = 320000
D = 128   # in_dim
EMB = 128 # emb_dim
HID = 128 # emb_dim * multiplier
L = 3     # num_layers
G = 128   # number of graphs in the batch
C = 10    # prediction classes


def setup_inputs(seed: int = 0) -> dict:
    key = jax.random.key(seed)
    ks = jax.random.split(key, 16)
    x = jax.random.normal(ks[0], (N, D), dtype=jnp.float32)
    edge_index = jax.random.randint(ks[1], (2, E), 0, N, dtype=jnp.int64)
    batch = jnp.sort(jax.random.randint(ks[2], (N,), 0, G, dtype=jnp.int64))
    # GIN MLP params per layer (in_dim == emb_dim == 128, so stacked)
    W1 = jax.random.normal(ks[3], (L, D, HID), dtype=jnp.float32) * 0.05
    b1 = jnp.zeros((L, HID), dtype=jnp.float32)
    gamma1 = jnp.ones((L, HID), dtype=jnp.float32)
    beta1 = jnp.zeros((L, HID), dtype=jnp.float32)
    W2 = jax.random.normal(ks[4], (L, HID, EMB), dtype=jnp.float32) * 0.05
    b2 = jnp.zeros((L, EMB), dtype=jnp.float32)
    eps = jnp.zeros((L,), dtype=jnp.float32)  # learnable GIN epsilon
    W_out = jax.random.normal(ks[5], (EMB, C), dtype=jnp.float32) * 0.05
    b_out = jnp.zeros((C,), dtype=jnp.float32)
    return {"x": x, "edge_index": edge_index, "batch": batch,
            "W1": W1, "b1": b1, "gamma1": gamma1, "beta1": beta1,
            "W2": W2, "b2": b2, "eps": eps, "W_out": W_out, "b_out": b_out}


def _batchnorm(h, gamma, beta):
    mu = jnp.mean(h, axis=0)
    var = jnp.var(h, axis=0)
    return (h - mu) / jnp.sqrt(var + 1e-5) * gamma + beta


def reference(x, edge_index, batch, W1, b1, gamma1, beta1, W2, b2, eps, W_out, b_out):
    n = x.shape[0]
    src = edge_index[0]
    dst = edge_index[1]
    current = x
    for l in range(L):
        # GINConv: mlp((1 + eps) * x + sum_{j in N(i)} x_j)
        msgs = current[src]                                   # gather over edges
        agg = jax.ops.segment_sum(msgs, dst, num_segments=n)  # scatter-add to dst nodes
        h = (1.0 + eps[l]) * current + agg
        h = h @ W1[l] + b1[l]
        h = _batchnorm(h, gamma1[l], beta1[l])
        h = jax.nn.relu(h)
        h = h @ W2[l] + b2[l]
        if l != L - 1:
            h = jax.nn.relu(h)
        current = h  # residual=False
    # mean-pool readout over graphs (last layer embeddings)
    sums = jax.ops.segment_sum(current, batch, num_segments=G)
    cnt = jax.ops.segment_sum(jnp.ones((n, 1), dtype=current.dtype), batch, num_segments=G)
    hg = sums / jnp.clip(cnt, 1.0, None)
    # prediction head
    y = hg @ W_out + b_out
    return y

if __name__ == "__main__":
    import jax
    _d = setup_inputs()
    print(jax.jit(kernel)(*tuple(_d.values())))

</pallas_src>

<mosaic_0001>
#map = affine_map<(d0, d1) -> (0, 0)>
#map1 = affine_map<(d0, d1) -> (0)>
module attributes {stable_mosaic.version = 14 : i64} {
  func.func @_mp_body(%arg0: i32, %arg1: i32, %arg2: memref<10000x128xf32, #tpu.memory_space<hbm>>, %arg3: memref<320000xi32, #tpu.memory_space<hbm>>, %arg4: memref<320000xi32, #tpu.memory_space<hbm>>, %arg5: memref<20000x128xf32, #tpu.memory_space<hbm>>, %arg6: memref<80xi32, #tpu.memory_space<vmem>>, %arg7: memref<80xi32, #tpu.memory_space<vmem>>, %arg8: memref<80x128xf32, #tpu.memory_space<vmem>>, %arg9: memref<10000x128xf32, #tpu.memory_space<vmem_shared>>, %arg10: memref<!tpu.dma_semaphore, #tpu.memory_space<semaphore_mem>>) attributes {dimension_semantics = [#tpu.dimension_semantics<core_parallel>, #tpu.dimension_semantics<subcore_parallel>], iteration_bounds = array<i64: 2, 16>, scalar_prefetch = 0 : i64, scratch_operands = 5 : i64, tpu.core_type = #tpu.core_type<sc_vector_subcore>, window_params = [{transform_indices = #map}, {transform_indices = #map1}, {transform_indices = #map1}, {transform_indices = #map}]} {
    %mul3A = arith.constant 2 : i32
    %mul3A_0 = arith.muli %arg1, %mul3A : i32
    %add3A = arith.addi %mul3A_0, %arg0 : i32
    %mul3A_1 = arith.constant 624 : i32
    %mul3A_2 = arith.muli %arg1, %mul3A_1 : i32
    %mul3A_3 = arith.constant 624 : i32
    %mul3A_4 = arith.muli %arg1, %mul3A_3 : i32
    "tpu.region"() ({
      %run_scoped3A = tpu.sem_alloc : memref<!tpu.dma_semaphore, #tpu.memory_space<semaphore_mem>>
      %dma_start3A = arith.constant 0 : i32
      %dma_start3A_27 = tpu.memref_slice %arg9[%mul3A_4, %dma_start3A] : memref<10000x128xf32, #tpu.memory_space<vmem_shared>> -> memref<624x128xf32, #tpu.memory_space<vmem_shared>>
      %dma_start3A_28 = arith.constant 0 : i32
      %dma_start3A_29 = tpu.memref_slice %arg2[%mul3A_2, %dma_start3A_28] : memref<10000x128xf32, #tpu.memory_space<hbm>> -> memref<624x128xf32, #tpu.memory_space<hbm>>
      tpu.enqueue_dma source(%dma_start3A_29 : memref<624x128xf32, #tpu.memory_space<hbm>>) target(%dma_start3A_27 : memref<624x128xf32, #tpu.memory_space<vmem_shared>>) target_semaphore(%run_scoped3A : memref<!tpu.dma_semaphore, #tpu.memory_space<semaphore_mem>>)
      %dma_wait3A = arith.constant 0 : i32
      %dma_wait3A_30 = tpu.memref_slice %arg9[%mul3A_4, %dma_wait3A] : memref<10000x128xf32, #tpu.memory_space<vmem_shared>> -> memref<624x128xf32, #tpu.memory_space<vmem_shared>>
      %dma_wait3A_31 = arith.constant 0 : i32
      %dma_wait3A_32 = tpu.memref_slice %arg2[%mul3A_2, %dma_wait3A_31] : memref<10000x128xf32, #tpu.memory_space<hbm>> -> memref<624x128xf32, #tpu.memory_space<hbm>>
      tpu.wait_dma2 semaphore(%run_scoped3A : memref<!tpu.dma_semaphore, #tpu.memory_space<semaphore_mem>>) src(%dma_wait3A_32 : memref<624x128xf32, #tpu.memory_space<hbm>>) dst(%dma_wait3A_30 : memref<624x128xf32, #tpu.memory_space<vmem_shared>>)
      tpu.yield
    }) : () -> ()
    %eq3A = arith.constant 0 : i32
    %eq3A_5 = arith.cmpi eq, %arg1, %eq3A : i32
    %convert_element_type3A = arith.extui %eq3A_5 : i1 to i32
    %cond3A = arith.constant 0 : i32
    %cond3A_6 = arith.cmpi ne, %convert_element_type3A, %cond3A : i32
    scf.if %cond3A_6 {
      "tpu.region"() ({
        %run_scoped3A = tpu.sem_alloc : memref<!tpu.dma_semaphore, #tpu.memory_space<semaphore_mem>>
        %dma_start3A = arith.constant 9984 : i32
        %dma_start3A_27 = arith.constant 0 : i32
        %dma_start3A_28 = tpu.memref_slice %arg9[%dma_start3A, %dma_start3A_27] : memref<10000x128xf32, #tpu.memory_space<vmem_shared>> -> memref<16x128xf32, #tpu.memory_space<vmem_shared>>
        %dma_start3A_29 = arith.constant 9984 : i32
        %dma_start3A_30 = arith.constant 0 : i32
        %dma_start3A_31 = tpu.memref_slice %arg2[%dma_start3A_29, %dma_start3A_30] : memref<10000x128xf32, #tpu.memory_space<hbm>> -> memref<16x128xf32, #tpu.memory_space<hbm>>
        tpu.enqueue_dma source(%dma_start3A_31 : memref<16x128xf32, #tpu.memory_space<hbm>>) target(%dma_start3A_28 : memref<16x128xf32, #tpu.memory_space<vmem_shared>>) target_semaphore(%run_scoped3A : memref<!tpu.dma_semaphore, #tpu.memory_space<semaphore_mem>>)
        %dma_wait3A = arith.constant 9984 : i32
        %dma_wait3A_32 = arith.constant 0 : i32
        %dma_wait3A_33 = tpu.memref_slice %arg9[%dma_wait3A, %dma_wait3A_32] : memref<10000x128xf32, #tpu.memory_space<vmem_shared>> -> memref<16x128xf32, #tpu.memory_space<vmem_shared>>
        %dma_wait3A_34 = arith.constant 9984 : i32
        %dma_wait3A_35 = arith.constant 0 : i32
        %dma_wait3A_36 = tpu.memref_slice %arg2[%dma_wait3A_34, %dma_wait3A_35] : memref<10000x128xf32, #tpu.memory_space<hbm>> -> memref<16x128xf32, #tpu.memory_space<hbm>>
        tpu.wait_dma2 semaphore(%run_scoped3A : memref<!tpu.dma_semaphore, #tpu.memory_space<semaphore_mem>>) src(%dma_wait3A_36 : memref<16x128xf32, #tpu.memory_space<hbm>>) dst(%dma_wait3A_33 : memref<16x128xf32, #tpu.memory_space<vmem_shared>>)
        tpu.yield
      }) : () -> ()
    } else {
    }
    %barrier3A = arith.constant 0 : index
    tpu.barrier barrier_id(%barrier3A)
    %mul3A_7 = arith.constant 10000 : i32
    %mul3A_8 = arith.muli %add3A, %mul3A_7 : i32
    %scan3A = arith.constant 0 : i32
    %scan3A_9 = arith.constant 0 : i32
    %scan3A_10 = arith.constant 125 : i32
    %scan3A_11 = arith.addi %scan3A_9, %scan3A_10 : i32
    %scan3A_12 = arith.constant 1 : i32
    scf.for %scan3A_27 = %scan3A_9 to %scan3A_11 step %scan3A_12  : i32 {
      %mul3A_28 = arith.constant 80 : i32
      %mul3A_29 = arith.muli %scan3A_27, %mul3A_28 : i32
      %add3A_30 = arith.addi %mul3A_8, %mul3A_29 : i32
      "tpu.region"() ({
        %run_scoped3A = tpu.sem_alloc : memref<!tpu.dma_semaphore, #tpu.memory_space<semaphore_mem>>
        %dma_start3A_35 = tpu.memref_slice %arg3[%add3A_30] : memref<320000xi32, #tpu.memory_space<hbm>> -> memref<80xi32, #tpu.memory_space<hbm>>
        %dma_start3A_36 = tpu.memref_slice %arg3[%add3A_30] : memref<320000xi32, #tpu.memory_space<hbm>> -> memref<80xi32, #tpu.memory_space<hbm>>
        tpu.enqueue_dma source(%dma_start3A_36 : memref<80xi32, #tpu.memory_space<hbm>>) target(%arg6 : memref<80xi32, #tpu.memory_space<vmem>>) target_semaphore(%run_scoped3A : memref<!tpu.dma_semaphore, #tpu.memory_space<semaphore_mem>>)
        %dma_wait3A_37 = tpu.memref_slice %arg3[%add3A_30] : memref<320000xi32, #tpu.memory_space<hbm>> -> memref<80xi32, #tpu.memory_space<hbm>>
        %dma_wait3A_38 = tpu.memref_slice %arg3[%add3A_30] : memref<320000xi32, #tpu.memory_space<hbm>> -> memref<80xi32, #tpu.memory_space<hbm>>
        tpu.wait_dma2 semaphore(%run_scoped3A : memref<!tpu.dma_semaphore, #tpu.memory_space<semaphore_mem>>) src(%dma_wait3A_38 : memref<80xi32, #tpu.memory_space<hbm>>) dst(%arg6 : memref<80xi32, #tpu.memory_space<vmem>>)
        tpu.yield
      }) : () -> ()
      "tpu.region"() ({
        %run_scoped3A = tpu.sem_alloc : memref<!tpu.dma_semaphore, #tpu.memory_space<semaphore_mem>>
        %dma_start3A_35 = tpu.memref_slice %arg4[%add3A_30] : memref<320000xi32, #tpu.memory_space<hbm>> -> memref<80xi32, #tpu.memory_space<hbm>>
        %dma_start3A_36 = tpu.memref_slice %arg4[%add3A_30] : memref<320000xi32, #tpu.memory_space<hbm>> -> memref<80xi32, #tpu.memory_space<hbm>>
        tpu.enqueue_dma source(%dma_start3A_36 : memref<80xi32, #tpu.memory_space<hbm>>) target(%arg7 : memref<80xi32, #tpu.memory_space<vmem>>) target_semaphore(%run_scoped3A : memref<!tpu.dma_semaphore, #tpu.memory_space<semaphore_mem>>)
        %dma_wait3A_37 = tpu.memref_slice %arg4[%add3A_30] : memref<320000xi32, #tpu.memory_space<hbm>> -> memref<80xi32, #tpu.memory_space<hbm>>
        %dma_wait3A_38 = tpu.memref_slice %arg4[%add3A_30] : memref<320000xi32, #tpu.memory_space<hbm>> -> memref<80xi32, #tpu.memory_space<hbm>>
        tpu.wait_dma2 semaphore(%run_scoped3A : memref<!tpu.dma_semaphore, #tpu.memory_space<semaphore_mem>>) src(%dma_wait3A_38 : memref<80xi32, #tpu.memory_space<hbm>>) dst(%arg7 : memref<80xi32, #tpu.memory_space<vmem>>)
        tpu.yield
      }) : () -> ()
      %dma_start3A = arith.constant 0 : i32
      %dma_start3A_31 = arith.constant 0 : i32
      %dma_start3A_32 = tpu.memref_slice %arg2[%dma_start3A, %dma_start3A_31] : memref<10000x128xf32, #tpu.memory_space<hbm>> -> memref<10000x128xf32, #tpu.memory_space<hbm>>
      tpu.enqueue_indirect_dma source(%dma_start3A_32 : memref<10000x128xf32, #tpu.memory_space<hbm>>) target(%arg8 : memref<80x128xf32, #tpu.memory_space<vmem>>) offsets(%arg6 : memref<80xi32, #tpu.memory_space<vmem>>) semaphore(%arg10 : memref<!tpu.dma_semaphore, #tpu.memory_space<semaphore_mem>>)
      %dma_wait3A = arith.constant 0 : i32
      %dma_wait3A_33 = arith.constant 0 : i32
      %dma_wait3A_34 = tpu.memref_slice %arg2[%dma_wait3A, %dma_wait3A_33] : memref<10000x128xf32, #tpu.memory_space<hbm>> -> memref<10000x128xf32, #tpu.memory_space<hbm>>
      tpu.wait_indirect_dma semaphore(%arg10 : memref<!tpu.dma_semaphore, #tpu.memory_space<semaphore_mem>>) src(%dma_wait3A_34 : memref<10000x128xf32, #tpu.memory_space<hbm>>) dst(%arg8 : memref<80x128xf32, #tpu.memory_space<vmem>>)
      "tpu.region"() ({
        %run_scoped3A = tpu.sem_alloc : memref<!tpu.dma_semaphore, #tpu.memory_space<semaphore_mem>>
        %dma_start3A_35 = arith.constant 0 : i32
        %dma_start3A_36 = arith.constant 0 : i32
        %dma_start3A_37 = tpu.memref_slice %arg9[%dma_start3A_35, %dma_start3A_36] : memref<10000x128xf32, #tpu.memory_space<vmem_shared>> -> memref<10000x128xf32, #tpu.memory_space<vmem_shared>>
        tpu.enqueue_indirect_dma source(%arg8 : memref<80x128xf32, #tpu.memory_space<vmem>>) target(%dma_start3A_37 : memref<10000x128xf32, #tpu.memory_space<vmem_shared>>) offsets(%arg7 : memref<80xi32, #tpu.memory_space<vmem>>) semaphore(%run_scoped3A : memref<!tpu.dma_semaphore, #tpu.memory_space<semaphore_mem>>) {add = true}
        %dma_wait3A_38 = arith.constant 0 : i32
        %dma_wait3A_39 = arith.constant 0 : i32
        %dma_wait3A_40 = tpu.memref_slice %arg9[%dma_wait3A_38, %dma_wait3A_39] : memref<10000x128xf32, #tpu.memory_space<vmem_shared>> -> memref<10000x128xf32, #tpu.memory_space<vmem_shared>>
        tpu.wait_indirect_dma semaphore(%run_scoped3A : memref<!tpu.dma_semaphore, #tpu.memory_space<semaphore_mem>>) src(%arg8 : memref<80x128xf32, #tpu.memory_space<vmem>>) dst(%dma_wait3A_40 : memref<10000x128xf32, #tpu.memory_space<vmem_shared>>)
        tpu.yield
      }) : () -> ()
    }
    %scan3A_13 = arith.constant 125 : i32
    %barrier3A_14 = arith.constant 0 : index
    tpu.barrier barrier_id(%barrier3A_14)
    %mul3A_15 = arith.constant 624 : i32
    %mul3A_16 = arith.muli %arg1, %mul3A_15 : i32
    %mul3A_17 = arith.constant 10000 : i32
    %mul3A_18 = arith.muli %arg0, %mul3A_17 : i32
    %mul3A_19 = arith.constant 624 : i32
    %mul3A_20 = arith.muli %arg1, %mul3A_19 : i32
    %add3A_21 = arith.addi %mul3A_18, %mul3A_20 : i32
    "tpu.region"() ({
      %run_scoped3A = tpu.sem_alloc : memref<!tpu.dma_semaphore, #tpu.memory_space<semaphore_mem>>
      %dma_start3A = arith.constant 0 : i32
      %dma_start3A_27 = tpu.memref_slice %arg5[%add3A_21, %dma_start3A] : memref<20000x128xf32, #tpu.memory_space<hbm>> -> memref<624x128xf32, #tpu.memory_space<hbm>>
      %dma_start3A_28 = arith.constant 0 : i32
      %dma_start3A_29 = tpu.memref_slice %arg9[%mul3A_16, %dma_start3A_28] : memref<10000x128xf32, #tpu.memory_space<vmem_shared>> -> memref<624x128xf32, #tpu.memory_space<vmem_shared>>
      tpu.enqueue_dma source(%dma_start3A_29 : memref<624x128xf32, #tpu.memory_space<vmem_shared>>) target(%dma_start3A_27 : memref<624x128xf32, #tpu.memory_space<hbm>>) target_semaphore(%run_scoped3A : memref<!tpu.dma_semaphore, #tpu.memory_space<semaphore_mem>>)
      %dma_wait3A = arith.constant 0 : i32
      %dma_wait3A_30 = tpu.memref_slice %arg5[%add3A_21, %dma_wait3A] : memref<20000x128xf32, #tpu.memory_space<hbm>> -> memref<624x128xf32, #tpu.memory_space<hbm>>
      %dma_wait3A_31 = arith.constant 0 : i32
      %dma_wait3A_32 = tpu.memref_slice %arg9[%mul3A_16, %dma_wait3A_31] : memref<10000x128xf32, #tpu.memory_space<vmem_shared>> -> memref<624x128xf32, #tpu.memory_space<vmem_shared>>
      tpu.wait_dma2 semaphore(%run_scoped3A : memref<!tpu.dma_semaphore, #tpu.memory_space<semaphore_mem>>) src(%dma_wait3A_32 : memref<624x128xf32, #tpu.memory_space<vmem_shared>>) dst(%dma_wait3A_30 : memref<624x128xf32, #tpu.memory_space<hbm>>)
      tpu.yield
    }) : () -> ()
    %eq3A_22 = arith.constant 0 : i32
    %eq3A_23 = arith.cmpi eq, %arg1, %eq3A_22 : i32
    %convert_element_type3A_24 = arith.extui %eq3A_23 : i1 to i32
    %cond3A_25 = arith.constant 0 : i32
    %cond3A_26 = arith.cmpi ne, %convert_element_type3A_24, %cond3A_25 : i32
    scf.if %cond3A_26 {
      %mul3A_27 = arith.constant 10000 : i32
      %mul3A_28 = arith.muli %arg0, %mul3A_27 : i32
      %add3A_29 = arith.constant 9984 : i32
      %add3A_30 = arith.addi %mul3A_28, %add3A_29 : i32
      "tpu.region"() ({
        %run_scoped3A = tpu.sem_alloc : memref<!tpu.dma_semaphore, #tpu.memory_space<semaphore_mem>>
        %dma_start3A = arith.constant 0 : i32
        %dma_start3A_31 = tpu.memref_slice %arg5[%add3A_30, %dma_start3A] : memref<20000x128xf32, #tpu.memory_space<hbm>> -> memref<16x128xf32, #tpu.memory_space<hbm>>
        %dma_start3A_32 = arith.constant 9984 : i32
        %dma_start3A_33 = arith.constant 0 : i32
        %dma_start3A_34 = tpu.memref_slice %arg9[%dma_start3A_32, %dma_start3A_33] : memref<10000x128xf32, #tpu.memory_space<vmem_shared>> -> memref<16x128xf32, #tpu.memory_space<vmem_shared>>
        tpu.enqueue_dma source(%dma_start3A_34 : memref<16x128xf32, #tpu.memory_space<vmem_shared>>) target(%dma_start3A_31 : memref<16x128xf32, #tpu.memory_space<hbm>>) target_semaphore(%run_scoped3A : memref<!tpu.dma_semaphore, #tpu.memory_space<semaphore_mem>>)
        %dma_wait3A = arith.constant 0 : i32
        %dma_wait3A_35 = tpu.memref_slice %arg5[%add3A_30, %dma_wait3A] : memref<20000x128xf32, #tpu.memory_space<hbm>> -> memref<16x128xf32, #tpu.memory_space<hbm>>
        %dma_wait3A_36 = arith.constant 9984 : i32
        %dma_wait3A_37 = arith.constant 0 : i32
        %dma_wait3A_38 = tpu.memref_slice %arg9[%dma_wait3A_36, %dma_wait3A_37] : memref<10000x128xf32, #tpu.memory_space<vmem_shared>> -> memref<16x128xf32, #tpu.memory_space<vmem_shared>>
        tpu.wait_dma2 semaphore(%run_scoped3A : memref<!tpu.dma_semaphore, #tpu.memory_space<semaphore_mem>>) src(%dma_wait3A_38 : memref<16x128xf32, #tpu.memory_space<vmem_shared>>) dst(%dma_wait3A_35 : memref<16x128xf32, #tpu.memory_space<hbm>>)
        tpu.yield
      }) : () -> ()
    } else {
    }
    return
  }
}

#map = affine_map<(d0, d1) -> (0, 0)>
#map1 = affine_map<(d0, d1) -> (0)>
module attributes {stable_mosaic.version = 14 : i64} {
  func.func @_mp_body(%arg0: i32, %arg1: i32, %arg2: memref<10000x128xf32, #tpu.memory_space<hbm>>, %arg3: memref<320000xi32, #tpu.memory_space<hbm>>, %arg4: memref<320000xi32, #tpu.memory_space<hbm>>, %arg5: memref<20000x128xf32, #tpu.memory_space<hbm>>, %arg6: memref<80xi32, #tpu.memory_space<vmem>>, %arg7: memref<80xi32, #tpu.memory_space<vmem>>, %arg8: memref<80x128xf32, #tpu.memory_space<vmem>>, %arg9: memref<10000x128xf32, #tpu.memory_space<vmem_shared>>, %arg10: memref<!tpu.dma_semaphore, #tpu.memory_space<semaphore_mem>>) attributes {dimension_semantics = [#tpu.dimension_semantics<core_parallel>, #tpu.dimension_semantics<subcore_parallel>], iteration_bounds = array<i64: 2, 16>, scalar_prefetch = 0 : i64, scratch_operands = 5 : i64, tpu.core_type = #tpu.core_type<sc_vector_subcore>, window_params = [{transform_indices = #map}, {transform_indices = #map1}, {transform_indices = #map1}, {transform_indices = #map}]} {
    %mul3A = arith.constant 2 : i32
    %mul3A_0 = arith.muli %arg1, %mul3A : i32
    %add3A = arith.addi %mul3A_0, %arg0 : i32
    %mul3A_1 = arith.constant 624 : i32
    %mul3A_2 = arith.muli %arg1, %mul3A_1 : i32
    %mul3A_3 = arith.constant 624 : i32
    %mul3A_4 = arith.muli %arg1, %mul3A_3 : i32
    "tpu.region"() ({
      %run_scoped3A = tpu.sem_alloc : memref<!tpu.dma_semaphore, #tpu.memory_space<semaphore_mem>>
      %dma_start3A = arith.constant 0 : i32
      %dma_start3A_27 = tpu.memref_slice %arg9[%mul3A_4, %dma_start3A] : memref<10000x128xf32, #tpu.memory_space<vmem_shared>> -> memref<624x128xf32, #tpu.memory_space<vmem_shared>>
      %dma_start3A_28 = arith.constant 0 : i32
      %dma_start3A_29 = tpu.memref_slice %arg2[%mul3A_2, %dma_start3A_28] : memref<10000x128xf32, #tpu.memory_space<hbm>> -> memref<624x128xf32, #tpu.memory_space<hbm>>
      tpu.enqueue_dma source(%dma_start3A_29 : memref<624x128xf32, #tpu.memory_space<hbm>>) target(%dma_start3A_27 : memref<624x128xf32, #tpu.memory_space<vmem_shared>>) target_semaphore(%run_scoped3A : memref<!tpu.dma_semaphore, #tpu.memory_space<semaphore_mem>>)
      %dma_wait3A = arith.constant 0 : i32
      %dma_wait3A_30 = tpu.memref_slice %arg9[%mul3A_4, %dma_wait3A] : memref<10000x128xf32, #tpu.memory_space<vmem_shared>> -> memref<624x128xf32, #tpu.memory_space<vmem_shared>>
      %dma_wait3A_31 = arith.constant 0 : i32
      %dma_wait3A_32 = tpu.memref_slice %arg2[%mul3A_2, %dma_wait3A_31] : memref<10000x128xf32, #tpu.memory_space<hbm>> -> memref<624x128xf32, #tpu.memory_space<hbm>>
      tpu.wait_dma2 semaphore(%run_scoped3A : memref<!tpu.dma_semaphore, #tpu.memory_space<semaphore_mem>>) src(%dma_wait3A_32 : memref<624x128xf32, #tpu.memory_space<hbm>>) dst(%dma_wait3A_30 : memref<624x128xf32, #tpu.memory_space<vmem_shared>>)
      tpu.yield
    }) : () -> ()
    %eq3A = arith.constant 0 : i32
    %eq3A_5 = arith.cmpi eq, %arg1, %eq3A : i32
    %convert_element_type3A = arith.extui %eq3A_5 : i1 to i32
    %cond3A = arith.constant 0 : i32
    %cond3A_6 = arith.cmpi ne, %convert_element_type3A, %cond3A : i32
    scf.if %cond3A_6 {
      "tpu.region"() ({
        %run_scoped3A = tpu.sem_alloc : memref<!tpu.dma_semaphore, #tpu.memory_space<semaphore_mem>>
        %dma_start3A = arith.constant 9984 : i32
        %dma_start3A_27 = arith.constant 0 : i32
        %dma_start3A_28 = tpu.memref_slice %arg9[%dma_start3A, %dma_start3A_27] : memref<10000x128xf32, #tpu.memory_space<vmem_shared>> -> memref<16x128xf32, #tpu.memory_space<vmem_shared>>
        %dma_start3A_29 = arith.constant 9984 : i32
        %dma_start3A_30 = arith.constant 0 : i32
        %dma_start3A_31 = tpu.memref_slice %arg2[%dma_start3A_29, %dma_start3A_30] : memref<10000x128xf32, #tpu.memory_space<hbm>> -> memref<16x128xf32, #tpu.memory_space<hbm>>
        tpu.enqueue_dma source(%dma_start3A_31 : memref<16x128xf32, #tpu.memory_space<hbm>>) target(%dma_start3A_28 : memref<16x128xf32, #tpu.memory_space<vmem_shared>>) target_semaphore(%run_scoped3A : memref<!tpu.dma_semaphore, #tpu.memory_space<semaphore_mem>>)
        %dma_wait3A = arith.constant 9984 : i32
        %dma_wait3A_32 = arith.constant 0 : i32
        %dma_wait3A_33 = tpu.memref_slice %arg9[%dma_wait3A, %dma_wait3A_32] : memref<10000x128xf32, #tpu.memory_space<vmem_shared>> -> memref<16x128xf32, #tpu.memory_space<vmem_shared>>
        %dma_wait3A_34 = arith.constant 9984 : i32
        %dma_wait3A_35 = arith.constant 0 : i32
        %dma_wait3A_36 = tpu.memref_slice %arg2[%dma_wait3A_34, %dma_wait3A_35] : memref<10000x128xf32, #tpu.memory_space<hbm>> -> memref<16x128xf32, #tpu.memory_space<hbm>>
        tpu.wait_dma2 semaphore(%run_scoped3A : memref<!tpu.dma_semaphore, #tpu.memory_space<semaphore_mem>>) src(%dma_wait3A_36 : memref<16x128xf32, #tpu.memory_space<hbm>>) dst(%dma_wait3A_33 : memref<16x128xf32, #tpu.memory_space<vmem_shared>>)
        tpu.yield
      }) : () -> ()
    } else {
    }
    %barrier3A = arith.constant 0 : index
    tpu.barrier barrier_id(%barrier3A)
    %mul3A_7 = arith.constant 10000 : i32
    %mul3A_8 = arith.muli %add3A, %mul3A_7 : i32
    %scan3A = arith.constant 0 : i32
    %scan3A_9 = arith.constant 0 : i32
    %scan3A_10 = arith.constant 125 : i32
    %scan3A_11 = arith.addi %scan3A_9, %scan3A_10 : i32
    %scan3A_12 = arith.constant 1 : i32
    scf.for %scan3A_27 = %scan3A_9 to %scan3A_11 step %scan3A_12  : i32 {
      %mul3A_28 = arith.constant 80 : i32
      %mul3A_29 = arith.muli %scan3A_27, %mul3A_28 : i32
      %add3A_30 = arith.addi %mul3A_8, %mul3A_29 : i32
      "tpu.region"() ({
        %run_scoped3A = tpu.sem_alloc : memref<!tpu.dma_semaphore, #tpu.memory_space<semaphore_mem>>
        %dma_start3A_35 = tpu.memref_slice %arg3[%add3A_30] : memref<320000xi32, #tpu.memory_space<hbm>> -> memref<80xi32, #tpu.memory_space<hbm>>
        %dma_start3A_36 = tpu.memref_slice %arg3[%add3A_30] : memref<320000xi32, #tpu.memory_space<hbm>> -> memref<80xi32, #tpu.memory_space<hbm>>
        tpu.enqueue_dma source(%dma_start3A_36 : memref<80xi32, #tpu.memory_space<hbm>>) target(%arg6 : memref<80xi32, #tpu.memory_space<vmem>>) target_semaphore(%run_scoped3A : memref<!tpu.dma_semaphore, #tpu.memory_space<semaphore_mem>>)
        %dma_wait3A_37 = tpu.memref_slice %arg3[%add3A_30] : memref<320000xi32, #tpu.memory_space<hbm>> -> memref<80xi32, #tpu.memory_space<hbm>>
        %dma_wait3A_38 = tpu.memref_slice %arg3[%add3A_30] : memref<320000xi32, #tpu.memory_space<hbm>> -> memref<80xi32, #tpu.memory_space<hbm>>
        tpu.wait_dma2 semaphore(%run_scoped3A : memref<!tpu.dma_semaphore, #tpu.memory_space<semaphore_mem>>) src(%dma_wait3A_38 : memref<80xi32, #tpu.memory_space<hbm>>) dst(%arg6 : memref<80xi32, #tpu.memory_space<vmem>>)
        tpu.yield
      }) : () -> ()
      "tpu.region"() ({
        %run_scoped3A = tpu.sem_alloc : memref<!tpu.dma_semaphore, #tpu.memory_space<semaphore_mem>>
        %dma_start3A_35 = tpu.memref_slice %arg4[%add3A_30] : memref<320000xi32, #tpu.memory_space<hbm>> -> memref<80xi32, #tpu.memory_space<hbm>>
        %dma_start3A_36 = tpu.memref_slice %arg4[%add3A_30] : memref<320000xi32, #tpu.memory_space<hbm>> -> memref<80xi32, #tpu.memory_space<hbm>>
        tpu.enqueue_dma source(%dma_start3A_36 : memref<80xi32, #tpu.memory_space<hbm>>) target(%arg7 : memref<80xi32, #tpu.memory_space<vmem>>) target_semaphore(%run_scoped3A : memref<!tpu.dma_semaphore, #tpu.memory_space<semaphore_mem>>)
        %dma_wait3A_37 = tpu.memref_slice %arg4[%add3A_30] : memref<320000xi32, #tpu.memory_space<hbm>> -> memref<80xi32, #tpu.memory_space<hbm>>
        %dma_wait3A_38 = tpu.memref_slice %arg4[%add3A_30] : memref<320000xi32, #tpu.memory_space<hbm>> -> memref<80xi32, #tpu.memory_space<hbm>>
        tpu.wait_dma2 semaphore(%run_scoped3A : memref<!tpu.dma_semaphore, #tpu.memory_space<semaphore_mem>>) src(%dma_wait3A_38 : memref<80xi32, #tpu.memory_space<hbm>>) dst(%arg7 : memref<80xi32, #tpu.memory_space<vmem>>)
        tpu.yield
      }) : () -> ()
      %dma_start3A = arith.constant 0 : i32
      %dma_start3A_31 = arith.constant 0 : i32
      %dma_start3A_32 = tpu.memref_slice %arg2[%dma_start3A, %dma_start3A_31] : memref<10000x128xf32, #tpu.memory_space<hbm>> -> memref<10000x128xf32, #tpu.memory_space<hbm>>
      tpu.enqueue_indirect_dma source(%dma_start3A_32 : memref<10000x128xf32, #tpu.memory_space<hbm>>) target(%arg8 : memref<80x128xf32, #tpu.memory_space<vmem>>) offsets(%arg6 : memref<80xi32, #tpu.memory_space<vmem>>) semaphore(%arg10 : memref<!tpu.dma_semaphore, #tpu.memory_space<semaphore_mem>>)
      %dma_wait3A = arith.constant 0 : i32
      %dma_wait3A_33 = arith.constant 0 : i32
      %dma_wait3A_34 = tpu.memref_slice %arg2[%dma_wait3A, %dma_wait3A_33] : memref<10000x128xf32, #tpu.memory_space<hbm>> -> memref<10000x128xf32, #tpu.memory_space<hbm>>
      tpu.wait_indirect_dma semaphore(%arg10 : memref<!tpu.dma_semaphore, #tpu.memory_space<semaphore_mem>>) src(%dma_wait3A_34 : memref<10000x128xf32, #tpu.memory_space<hbm>>) dst(%arg8 : memref<80x128xf32, #tpu.memory_space<vmem>>)
      "tpu.region"() ({
        %run_scoped3A = tpu.sem_alloc : memref<!tpu.dma_semaphore, #tpu.memory_space<semaphore_mem>>
        %dma_start3A_35 = arith.constant 0 : i32
        %dma_start3A_36 = arith.constant 0 : i32
        %dma_start3A_37 = tpu.memref_slice %arg9[%dma_start3A_35, %dma_start3A_36] : memref<10000x128xf32, #tpu.memory_space<vmem_shared>> -> memref<10000x128xf32, #tpu.memory_space<vmem_shared>>
        tpu.enqueue_indirect_dma source(%arg8 : memref<80x128xf32, #tpu.memory_space<vmem>>) target(%dma_start3A_37 : memref<10000x128xf32, #tpu.memory_space<vmem_shared>>) offsets(%arg7 : memref<80xi32, #tpu.memory_space<vmem>>) semaphore(%run_scoped3A : memref<!tpu.dma_semaphore, #tpu.memory_space<semaphore_mem>>) {add = true}
        %dma_wait3A_38 = arith.constant 0 : i32
        %dma_wait3A_39 = arith.constant 0 : i32
        %dma_wait3A_40 = tpu.memref_slice %arg9[%dma_wait3A_38, %dma_wait3A_39] : memref<10000x128xf32, #tpu.memory_space<vmem_shared>> -> memref<10000x128xf32, #tpu.memory_space<vmem_shared>>
        tpu.wait_indirect_dma semaphore(%run_scoped3A : memref<!tpu.dma_semaphore, #tpu.memory_space<semaphore_mem>>) src(%arg8 : memref<80x128xf32, #tpu.memory_space<vmem>>) dst(%dma_wait3A_40 : memref<10000x128xf32, #tpu.memory_space<vmem_shared>>)
        tpu.yield
      }) : () -> ()
    }
    %scan3A_13 = arith.constant 125 : i32
    %barrier3A_14 = arith.constant 0 : index
    tpu.barrier barrier_id(%barrier3A_14)
    %mul3A_15 = arith.constant 624 : i32
    %mul3A_16 = arith.muli %arg1, %mul3A_15 : i32
    %mul3A_17 = arith.constant 10000 : i32
    %mul3A_18 = arith.muli %arg0, %mul3A_17 : i32
    %mul3A_19 = arith.constant 624 : i32
    %mul3A_20 = arith.muli %arg1, %mul3A_19 : i32
    %add3A_21 = arith.addi %mul3A_18, %mul3A_20 : i32
    "tpu.region"() ({
      %run_scoped3A = tpu.sem_alloc : memref<!tpu.dma_semaphore, #tpu.memory_space<semaphore_mem>>
      %dma_start3A = arith.constant 0 : i32
      %dma_start3A_27 = tpu.memref_slice %arg5[%add3A_21, %dma_start3A] : memref<20000x128xf32, #tpu.memory_space<hbm>> -> memref<624x128xf32, #tpu.memory_space<hbm>>
      %dma_start3A_28 = arith.constant 0 : i32
      %dma_start3A_29 = tpu.memref_slice %arg9[%mul3A_16, %dma_start3A_28] : memref<10000x128xf32, #tpu.memory_space<vmem_shared>> -> memref<624x128xf32, #tpu.memory_space<vmem_shared>>
      tpu.enqueue_dma source(%dma_start3A_29 : memref<624x128xf32, #tpu.memory_space<vmem_shared>>) target(%dma_start3A_27 : memref<624x128xf32, #tpu.memory_space<hbm>>) target_semaphore(%run_scoped3A : memref<!tpu.dma_semaphore, #tpu.memory_space<semaphore_mem>>)
      %dma_wait3A = arith.constant 0 : i32
      %dma_wait3A_30 = tpu.memref_slice %arg5[%add3A_21, %dma_wait3A] : memref<20000x128xf32, #tpu.memory_space<hbm>> -> memref<624x128xf32, #tpu.memory_space<hbm>>
      %dma_wait3A_31 = arith.constant 0 : i32
      %dma_wait3A_32 = tpu.memref_slice %arg9[%mul3A_16, %dma_wait3A_31] : memref<10000x128xf32, #tpu.memory_space<vmem_shared>> -> memref<624x128xf32, #tpu.memory_space<vmem_shared>>
      tpu.wait_dma2 semaphore(%run_scoped3A : memref<!tpu.dma_semaphore, #tpu.memory_space<semaphore_mem>>) src(%dma_wait3A_32 : memref<624x128xf32, #tpu.memory_space<vmem_shared>>) dst(%dma_wait3A_30 : memref<624x128xf32, #tpu.memory_space<hbm>>)
      tpu.yield
    }) : () -> ()
    %eq3A_22 = arith.constant 0 : i32
    %eq3A_23 = arith.cmpi eq, %arg1, %eq3A_22 : i32
    %convert_element_type3A_24 = arith.extui %eq3A_23 : i1 to i32
    %cond3A_25 = arith.constant 0 : i32
    %cond3A_26 = arith.cmpi ne, %convert_element_type3A_24, %cond3A_25 : i32
    scf.if %cond3A_26 {
      %mul3A_27 = arith.constant 10000 : i32
      %mul3A_28 = arith.muli %arg0, %mul3A_27 : i32
      %add3A_29 = arith.constant 9984 : i32
      %add3A_30 = arith.addi %mul3A_28, %add3A_29 : i32
      "tpu.region"() ({
        %run_scoped3A = tpu.sem_alloc : memref<!tpu.dma_semaphore, #tpu.memory_space<semaphore_mem>>
        %dma_start3A = arith.constant 0 : i32
        %dma_start3A_31 = tpu.memref_slice %arg5[%add3A_30, %dma_start3A] : memref<20000x128xf32, #tpu.memory_space<hbm>> -> memref<16x128xf32, #tpu.memory_space<hbm>>
        %dma_start3A_32 = arith.constant 9984 : i32
        %dma_start3A_33 = arith.constant 0 : i32
        %dma_start3A_34 = tpu.memref_slice %arg9[%dma_start3A_32, %dma_start3A_33] : memref<10000x128xf32, #tpu.memory_space<vmem_shared>> -> memref<16x128xf32, #tpu.memory_space<vmem_shared>>
        tpu.enqueue_dma source(%dma_start3A_34 : memref<16x128xf32, #tpu.memory_space<vmem_shared>>) target(%dma_start3A_31 : memref<16x128xf32, #tpu.memory_space<hbm>>) target_semaphore(%run_scoped3A : memref<!tpu.dma_semaphore, #tpu.memory_space<semaphore_mem>>)
        %dma_wait3A = arith.constant 0 : i32
        %dma_wait3A_35 = tpu.memref_slice %arg5[%add3A_30, %dma_wait3A] : memref<20000x128xf32, #tpu.memory_space<hbm>> -> memref<16x128xf32, #tpu.memory_space<hbm>>
        %dma_wait3A_36 = arith.constant 9984 : i32
        %dma_wait3A_37 = arith.constant 0 : i32
        %dma_wait3A_38 = tpu.memref_slice %arg9[%dma_wait3A_36, %dma_wait3A_37] : memref<10000x128xf32, #tpu.memory_space<vmem_shared>> -> memref<16x128xf32, #tpu.memory_space<vmem_shared>>
        tpu.wait_dma2 semaphore(%run_scoped3A : memref<!tpu.dma_semaphore, #tpu.memory_space<semaphore_mem>>) src(%dma_wait3A_38 : memref<16x128xf32, #tpu.memory_space<vmem_shared>>) dst(%dma_wait3A_35 : memref<16x128xf32, #tpu.memory_space<hbm>>)
        tpu.yield
      }) : () -> ()
    } else {
    }
    return
  }
}

#map = affine_map<(d0, d1) -> (0, 0)>
#map1 = affine_map<(d0, d1) -> (0)>
module attributes {stable_mosaic.version = 14 : i64} {
  func.func @_mp_body(%arg0: i32, %arg1: i32, %arg2: memref<10000x128xf32, #tpu.memory_space<hbm>>, %arg3: memref<320000xi32, #tpu.memory_space<hbm>>, %arg4: memref<320000xi32, #tpu.memory_space<hbm>>, %arg5: memref<20000x128xf32, #tpu.memory_space<hbm>>, %arg6: memref<80xi32, #tpu.memory_space<vmem>>, %arg7: memref<80xi32, #tpu.memory_space<vmem>>, %arg8: memref<80x128xf32, #tpu.memory_space<vmem>>, %arg9: memref<10000x128xf32, #tpu.memory_space<vmem_shared>>, %arg10: memref<!tpu.dma_semaphore, #tpu.memory_space<semaphore_mem>>) attributes {dimension_semantics = [#tpu.dimension_semantics<core_parallel>, #tpu.dimension_semantics<subcore_parallel>], iteration_bounds = array<i64: 2, 16>, scalar_prefetch = 0 : i64, scratch_operands = 5 : i64, tpu.core_type = #tpu.core_type<sc_vector_subcore>, window_params = [{transform_indices = #map}, {transform_indices = #map1}, {transform_indices = #map1}, {transform_indices = #map}]} {
    %mul3A = arith.constant 2 : i32
    %mul3A_0 = arith.muli %arg1, %mul3A : i32
    %add3A = arith.addi %mul3A_0, %arg0 : i32
    %mul3A_1 = arith.constant 624 : i32
    %mul3A_2 = arith.muli %arg1, %mul3A_1 : i32
    %mul3A_3 = arith.constant 624 : i32
    %mul3A_4 = arith.muli %arg1, %mul3A_3 : i32
    "tpu.region"() ({
      %run_scoped3A = tpu.sem_alloc : memref<!tpu.dma_semaphore, #tpu.memory_space<semaphore_mem>>
      %dma_start3A = arith.constant 0 : i32
      %dma_start3A_27 = tpu.memref_slice %arg9[%mul3A_4, %dma_start3A] : memref<10000x128xf32, #tpu.memory_space<vmem_shared>> -> memref<624x128xf32, #tpu.memory_space<vmem_shared>>
      %dma_start3A_28 = arith.constant 0 : i32
      %dma_start3A_29 = tpu.memref_slice %arg2[%mul3A_2, %dma_start3A_28] : memref<10000x128xf32, #tpu.memory_space<hbm>> -> memref<624x128xf32, #tpu.memory_space<hbm>>
      tpu.enqueue_dma source(%dma_start3A_29 : memref<624x128xf32, #tpu.memory_space<hbm>>) target(%dma_start3A_27 : memref<624x128xf32, #tpu.memory_space<vmem_shared>>) target_semaphore(%run_scoped3A : memref<!tpu.dma_semaphore, #tpu.memory_space<semaphore_mem>>)
      %dma_wait3A = arith.constant 0 : i32
      %dma_wait3A_30 = tpu.memref_slice %arg9[%mul3A_4, %dma_wait3A] : memref<10000x128xf32, #tpu.memory_space<vmem_shared>> -> memref<624x128xf32, #tpu.memory_space<vmem_shared>>
      %dma_wait3A_31 = arith.constant 0 : i32
      %dma_wait3A_32 = tpu.memref_slice %arg2[%mul3A_2, %dma_wait3A_31] : memref<10000x128xf32, #tpu.memory_space<hbm>> -> memref<624x128xf32, #tpu.memory_space<hbm>>
      tpu.wait_dma2 semaphore(%run_scoped3A : memref<!tpu.dma_semaphore, #tpu.memory_space<semaphore_mem>>) src(%dma_wait3A_32 : memref<624x128xf32, #tpu.memory_space<hbm>>) dst(%dma_wait3A_30 : memref<624x128xf32, #tpu.memory_space<vmem_shared>>)
      tpu.yield
    }) : () -> ()
    %eq3A = arith.constant 0 : i32
    %eq3A_5 = arith.cmpi eq, %arg1, %eq3A : i32
    %convert_element_type3A = arith.extui %eq3A_5 : i1 to i32
    %cond3A = arith.constant 0 : i32
    %cond3A_6 = arith.cmpi ne, %convert_element_type3A, %cond3A : i32
    scf.if %cond3A_6 {
      "tpu.region"() ({
        %run_scoped3A = tpu.sem_alloc : memref<!tpu.dma_semaphore, #tpu.memory_space<semaphore_mem>>
        %dma_start3A = arith.constant 9984 : i32
        %dma_start3A_27 = arith.constant 0 : i32
        %dma_start3A_28 = tpu.memref_slice %arg9[%dma_start3A, %dma_start3A_27] : memref<10000x128xf32, #tpu.memory_space<vmem_shared>> -> memref<16x128xf32, #tpu.memory_space<vmem_shared>>
        %dma_start3A_29 = arith.constant 9984 : i32
        %dma_start3A_30 = arith.constant 0 : i32
        %dma_start3A_31 = tpu.memref_slice %arg2[%dma_start3A_29, %dma_start3A_30] : memref<10000x128xf32, #tpu.memory_space<hbm>> -> memref<16x128xf32, #tpu.memory_space<hbm>>
        tpu.enqueue_dma source(%dma_start3A_31 : memref<16x128xf32, #tpu.memory_space<hbm>>) target(%dma_start3A_28 : memref<16x128xf32, #tpu.memory_space<vmem_shared>>) target_semaphore(%run_scoped3A : memref<!tpu.dma_semaphore, #tpu.memory_space<semaphore_mem>>)
        %dma_wait3A = arith.constant 9984 : i32
        %dma_wait3A_32 = arith.constant 0 : i32
        %dma_wait3A_33 = tpu.memref_slice %arg9[%dma_wait3A, %dma_wait3A_32] : memref<10000x128xf32, #tpu.memory_space<vmem_shared>> -> memref<16x128xf32, #tpu.memory_space<vmem_shared>>
        %dma_wait3A_34 = arith.constant 9984 : i32
        %dma_wait3A_35 = arith.constant 0 : i32
        %dma_wait3A_36 = tpu.memref_slice %arg2[%dma_wait3A_34, %dma_wait3A_35] : memref<10000x128xf32, #tpu.memory_space<hbm>> -> memref<16x128xf32, #tpu.memory_space<hbm>>
        tpu.wait_dma2 semaphore(%run_scoped3A : memref<!tpu.dma_semaphore, #tpu.memory_space<semaphore_mem>>) src(%dma_wait3A_36 : memref<16x128xf32, #tpu.memory_space<hbm>>) dst(%dma_wait3A_33 : memref<16x128xf32, #tpu.memory_space<vmem_shared>>)
        tpu.yield
      }) : () -> ()
    } else {
    }
    %barrier3A = arith.constant 0 : index
    tpu.barrier barrier_id(%barrier3A)
    %mul3A_7 = arith.constant 10000 : i32
    %mul3A_8 = arith.muli %add3A, %mul3A_7 : i32
    %scan3A = arith.constant 0 : i32
    %scan3A_9 = arith.constant 0 : i32
    %scan3A_10 = arith.constant 125 : i32
    %scan3A_11 = arith.addi %scan3A_9, %scan3A_10 : i32
    %scan3A_12 = arith.constant 1 : i32
    scf.for %scan3A_27 = %scan3A_9 to %scan3A_11 step %scan3A_12  : i32 {
      %mul3A_28 = arith.constant 80 : i32
      %mul3A_29 = arith.muli %scan3A_27, %mul3A_28 : i32
      %add3A_30 = arith.addi %mul3A_8, %mul3A_29 : i32
      "tpu.region"() ({
        %run_scoped3A = tpu.sem_alloc : memref<!tpu.dma_semaphore, #tpu.memory_space<semaphore_mem>>
        %dma_start3A_35 = tpu.memref_slice %arg3[%add3A_30] : memref<320000xi32, #tpu.memory_space<hbm>> -> memref<80xi32, #tpu.memory_space<hbm>>
        %dma_start3A_36 = tpu.memref_slice %arg3[%add3A_30] : memref<320000xi32, #tpu.memory_space<hbm>> -> memref<80xi32, #tpu.memory_space<hbm>>
        tpu.enqueue_dma source(%dma_start3A_36 : memref<80xi32, #tpu.memory_space<hbm>>) target(%arg6 : memref<80xi32, #tpu.memory_space<vmem>>) target_semaphore(%run_scoped3A : memref<!tpu.dma_semaphore, #tpu.memory_space<semaphore_mem>>)
        %dma_wait3A_37 = tpu.memref_slice %arg3[%add3A_30] : memref<320000xi32, #tpu.memory_space<hbm>> -> memref<80xi32, #tpu.memory_space<hbm>>
        %dma_wait3A_38 = tpu.memref_slice %arg3[%add3A_30] : memref<320000xi32, #tpu.memory_space<hbm>> -> memref<80xi32, #tpu.memory_space<hbm>>
        tpu.wait_dma2 semaphore(%run_scoped3A : memref<!tpu.dma_semaphore, #tpu.memory_space<semaphore_mem>>) src(%dma_wait3A_38 : memref<80xi32, #tpu.memory_space<hbm>>) dst(%arg6 : memref<80xi32, #tpu.memory_space<vmem>>)
        tpu.yield
      }) : () -> ()
      "tpu.region"() ({
        %run_scoped3A = tpu.sem_alloc : memref<!tpu.dma_semaphore, #tpu.memory_space<semaphore_mem>>
        %dma_start3A_35 = tpu.memref_slice %arg4[%add3A_30] : memref<320000xi32, #tpu.memory_space<hbm>> -> memref<80xi32, #tpu.memory_space<hbm>>
        %dma_start3A_36 = tpu.memref_slice %arg4[%add3A_30] : memref<320000xi32, #tpu.memory_space<hbm>> -> memref<80xi32, #tpu.memory_space<hbm>>
        tpu.enqueue_dma source(%dma_start3A_36 : memref<80xi32, #tpu.memory_space<hbm>>) target(%arg7 : memref<80xi32, #tpu.memory_space<vmem>>) target_semaphore(%run_scoped3A : memref<!tpu.dma_semaphore, #tpu.memory_space<semaphore_mem>>)
        %dma_wait3A_37 = tpu.memref_slice %arg4[%add3A_30] : memref<320000xi32, #tpu.memory_space<hbm>> -> memref<80xi32, #tpu.memory_space<hbm>>
        %dma_wait3A_38 = tpu.memref_slice %arg4[%add3A_30] : memref<320000xi32, #tpu.memory_space<hbm>> -> memref<80xi32, #tpu.memory_space<hbm>>
        tpu.wait_dma2 semaphore(%run_scoped3A : memref<!tpu.dma_semaphore, #tpu.memory_space<semaphore_mem>>) src(%dma_wait3A_38 : memref<80xi32, #tpu.memory_space<hbm>>) dst(%arg7 : memref<80xi32, #tpu.memory_space<vmem>>)
        tpu.yield
      }) : () -> ()
      %dma_start3A = arith.constant 0 : i32
      %dma_start3A_31 = arith.constant 0 : i32
      %dma_start3A_32 = tpu.memref_slice %arg2[%dma_start3A, %dma_start3A_31] : memref<10000x128xf32, #tpu.memory_space<hbm>> -> memref<10000x128xf32, #tpu.memory_space<hbm>>
      tpu.enqueue_indirect_dma source(%dma_start3A_32 : memref<10000x128xf32, #tpu.memory_space<hbm>>) target(%arg8 : memref<80x128xf32, #tpu.memory_space<vmem>>) offsets(%arg6 : memref<80xi32, #tpu.memory_space<vmem>>) semaphore(%arg10 : memref<!tpu.dma_semaphore, #tpu.memory_space<semaphore_mem>>)
      %dma_wait3A = arith.constant 0 : i32
      %dma_wait3A_33 = arith.constant 0 : i32
      %dma_wait3A_34 = tpu.memref_slice %arg2[%dma_wait3A, %dma_wait3A_33] : memref<10000x128xf32, #tpu.memory_space<hbm>> -> memref<10000x128xf32, #tpu.memory_space<hbm>>
      tpu.wait_indirect_dma semaphore(%arg10 : memref<!tpu.dma_semaphore, #tpu.memory_space<semaphore_mem>>) src(%dma_wait3A_34 : memref<10000x128xf32, #tpu.memory_space<hbm>>) dst(%arg8 : memref<80x128xf32, #tpu.memory_space<vmem>>)
      "tpu.region"() ({
        %run_scoped3A = tpu.sem_alloc : memref<!tpu.dma_semaphore, #tpu.memory_space<semaphore_mem>>
        %dma_start3A_35 = arith.constant 0 : i32
        %dma_start3A_36 = arith.constant 0 : i32
        %dma_start3A_37 = tpu.memref_slice %arg9[%dma_start3A_35, %dma_start3A_36] : memref<10000x128xf32, #tpu.memory_space<vmem_shared>> -> memref<10000x128xf32, #tpu.memory_space<vmem_shared>>
        tpu.enqueue_indirect_dma source(%arg8 : memref<80x128xf32, #tpu.memory_space<vmem>>) target(%dma_start3A_37 : memref<10000x128xf32, #tpu.memory_space<vmem_shared>>) offsets(%arg7 : memref<80xi32, #tpu.memory_space<vmem>>) semaphore(%run_scoped3A : memref<!tpu.dma_semaphore, #tpu.memory_space<semaphore_mem>>) {add = true}
        %dma_wait3A_38 = arith.constant 0 : i32
        %dma_wait3A_39 = arith.constant 0 : i32
        %dma_wait3A_40 = tpu.memref_slice %arg9[%dma_wait3A_38, %dma_wait3A_39] : memref<10000x128xf32, #tpu.memory_space<vmem_shared>> -> memref<10000x128xf32, #tpu.memory_space<vmem_shared>>
        tpu.wait_indirect_dma semaphore(%run_scoped3A : memref<!tpu.dma_semaphore, #tpu.memory_space<semaphore_mem>>) src(%arg8 : memref<80x128xf32, #tpu.memory_space<vmem>>) dst(%dma_wait3A_40 : memref<10000x128xf32, #tpu.memory_space<vmem_shared>>)
        tpu.yield
      }) : () -> ()
    }
    %scan3A_13 = arith.constant 125 : i32
    %barrier3A_14 = arith.constant 0 : index
    tpu.barrier barrier_id(%barrier3A_14)
    %mul3A_15 = arith.constant 624 : i32
    %mul3A_16 = arith.muli %arg1, %mul3A_15 : i32
    %mul3A_17 = arith.constant 10000 : i32
    %mul3A_18 = arith.muli %arg0, %mul3A_17 : i32
    %mul3A_19 = arith.constant 624 : i32
    %mul3A_20 = arith.muli %arg1, %mul3A_19 : i32
    %add3A_21 = arith.addi %mul3A_18, %mul3A_20 : i32
    "tpu.region"() ({
      %run_scoped3A = tpu.sem_alloc : memref<!tpu.dma_semaphore, #tpu.memory_space<semaphore_mem>>
      %dma_start3A = arith.constant 0 : i32
      %dma_start3A_27 = tpu.memref_slice %arg5[%add3A_21, %dma_start3A] : memref<20000x128xf32, #tpu.memory_space<hbm>> -> memref<624x128xf32, #tpu.memory_space<hbm>>
      %dma_start3A_28 = arith.constant 0 : i32
      %dma_start3A_29 = tpu.memref_slice %arg9[%mul3A_16, %dma_start3A_28] : memref<10000x128xf32, #tpu.memory_space<vmem_shared>> -> memref<624x128xf32, #tpu.memory_space<vmem_shared>>
      tpu.enqueue_dma source(%dma_start3A_29 : memref<624x128xf32, #tpu.memory_space<vmem_shared>>) target(%dma_start3A_27 : memref<624x128xf32, #tpu.memory_space<hbm>>) target_semaphore(%run_scoped3A : memref<!tpu.dma_semaphore, #tpu.memory_space<semaphore_mem>>)
      %dma_wait3A = arith.constant 0 : i32
      %dma_wait3A_30 = tpu.memref_slice %arg5[%add3A_21, %dma_wait3A] : memref<20000x128xf32, #tpu.memory_space<hbm>> -> memref<624x128xf32, #tpu.memory_space<hbm>>
      %dma_wait3A_31 = arith.constant 0 : i32
      %dma_wait3A_32 = tpu.memref_slice %arg9[%mul3A_16, %dma_wait3A_31] : memref<10000x128xf32, #tpu.memory_space<vmem_shared>> -> memref<624x128xf32, #tpu.memory_space<vmem_shared>>
      tpu.wait_dma2 semaphore(%run_scoped3A : memref<!tpu.dma_semaphore, #tpu.memory_space<semaphore_mem>>) src(%dma_wait3A_32 : memref<624x128xf32, #tpu.memory_space<vmem_shared>>) dst(%dma_wait3A_30 : memref<624x128xf32, #tpu.memory_space<hbm>>)
      tpu.yield
    }) : () -> ()
    %eq3A_22 = arith.constant 0 : i32
    %eq3A_23 = arith.cmpi eq, %arg1, %eq3A_22 : i32
    %convert_element_type3A_24 = arith.extui %eq3A_23 : i1 to i32
    %cond3A_25 = arith.constant 0 : i32
    %cond3A_26 = arith.cmpi ne, %convert_element_type3A_24, %cond3A_25 : i32
    scf.if %cond3A_26 {
      %mul3A_27 = arith.constant 10000 : i32
      %mul3A_28 = arith.muli %arg0, %mul3A_27 : i32
      %add3A_29 = arith.constant 9984 : i32
      %add3A_30 = arith.addi %mul3A_28, %add3A_29 : i32
      "tpu.region"() ({
        %run_scoped3A = tpu.sem_alloc : memref<!tpu.dma_semaphore, #tpu.memory_space<semaphore_mem>>
        %dma_start3A = arith.constant 0 : i32
        %dma_start3A_31 = tpu.memref_slice %arg5[%add3A_30, %dma_start3A] : memref<20000x128xf32, #tpu.memory_space<hbm>> -> memref<16x128xf32, #tpu.memory_space<hbm>>
        %dma_start3A_32 = arith.constant 9984 : i32
        %dma_start3A_33 = arith.constant 0 : i32
        %dma_start3A_34 = tpu.memref_slice %arg9[%dma_start3A_32, %dma_start3A_33] : memref<10000x128xf32, #tpu.memory_space<vmem_shared>> -> memref<16x128xf32, #tpu.memory_space<vmem_shared>>
        tpu.enqueue_dma source(%dma_start3A_34 : memref<16x128xf32, #tpu.memory_space<vmem_shared>>) target(%dma_start3A_31 : memref<16x128xf32, #tpu.memory_space<hbm>>) target_semaphore(%run_scoped3A : memref<!tpu.dma_semaphore, #tpu.memory_space<semaphore_mem>>)
        %dma_wait3A = arith.constant 0 : i32
        %dma_wait3A_35 = tpu.memref_slice %arg5[%add3A_30, %dma_wait3A] : memref<20000x128xf32, #tpu.memory_space<hbm>> -> memref<16x128xf32, #tpu.memory_space<hbm>>
        %dma_wait3A_36 = arith.constant 9984 : i32
        %dma_wait3A_37 = arith.constant 0 : i32
        %dma_wait3A_38 = tpu.memref_slice %arg9[%dma_wait3A_36, %dma_wait3A_37] : memref<10000x128xf32, #tpu.memory_space<vmem_shared>> -> memref<16x128xf32, #tpu.memory_space<vmem_shared>>
        tpu.wait_dma2 semaphore(%run_scoped3A : memref<!tpu.dma_semaphore, #tpu.memory_space<semaphore_mem>>) src(%dma_wait3A_38 : memref<16x128xf32, #tpu.memory_space<vmem_shared>>) dst(%dma_wait3A_35 : memref<16x128xf32, #tpu.memory_space<hbm>>)
        tpu.yield
      }) : () -> ()
    } else {
    }
    return
  }
}

module attributes {stable_mosaic.version = 14 : i64} {
  func.func @_dense_body(%arg0: memref<10000x128xf32, #tpu.memory_space<vmem>>, %arg1: memref<10000x128xf32, #tpu.memory_space<vmem>>, %arg2: memref<10000x128xf32, #tpu.memory_space<vmem>>, %arg3: memref<128x128xf32, #tpu.memory_space<vmem>>, %arg4: memref<1x128xf32, #tpu.memory_space<vmem>>, %arg5: memref<1x128xf32, #tpu.memory_space<vmem>>, %arg6: memref<1x128xf32, #tpu.memory_space<vmem>>, %arg7: memref<128x128xf32, #tpu.memory_space<vmem>>, %arg8: memref<1x128xf32, #tpu.memory_space<vmem>>, %arg9: memref<1x1xf32, #tpu.memory_space<vmem>>, %arg10: memref<10000x128xf32, #tpu.memory_space<vmem>>) attributes {dimension_semantics = [], scalar_prefetch = 0 : i64, scratch_operands = 0 : i64, tpu.core_type = #tpu.core_type<tc>} {
    %get3A = arith.constant 0 : index
    %get3A_0 = arith.constant 0 : index
    %get3A_1 = vector.load %arg1[%get3A, %get3A_0] : memref<10000x128xf32, #tpu.memory_space<vmem>>, vector<10000x128xf32>
    %get3A_2 = arith.constant 0 : index
    %get3A_3 = arith.constant 0 : index
    %get3A_4 = vector.load %arg2[%get3A_2, %get3A_3] : memref<10000x128xf32, #tpu.memory_space<vmem>>, vector<10000x128xf32>
    %add3A = arith.addf %get3A_1, %get3A_4 : vector<10000x128xf32>
    %get3A_5 = arith.constant 0 : index
    %get3A_6 = arith.constant 0 : index
    %get3A_7 = vector.load %arg9[%get3A_5, %get3A_6] : memref<1x1xf32, #tpu.memory_space<vmem>>, vector<1x1xf32>
    %get3A_8 = vector.extract %get3A_7[0, 0] : f32 from vector<1x1xf32>
    %get3A_9 = arith.constant 0 : index
    %get3A_10 = arith.constant 0 : index
    %get3A_11 = vector.load %arg0[%get3A_9, %get3A_10] : memref<10000x128xf32, #tpu.memory_space<vmem>>, vector<10000x128xf32>
    %mul3A = vector.broadcast %get3A_8 : f32 to vector<10000x128xf32>
    %mul3A_12 = arith.mulf %mul3A, %get3A_11 : vector<10000x128xf32>
    %add3A_13 = arith.addf %add3A, %mul3A_12 : vector<10000x128xf32>
    %get3A_14 = arith.constant 0 : index
    %get3A_15 = arith.constant 0 : index
    %get3A_16 = vector.load %arg3[%get3A_14, %get3A_15] : memref<128x128xf32, #tpu.memory_space<vmem>>, vector<128x128xf32>
    %dot_general3A = arith.constant dense<0.000000e+00> : vector<10000x128xf32>
    %dot_general3A_17 = tpu.matmul %add3A_13, %get3A_16, %dot_general3A {dimension_numbers = #tpu.dot_dimension_numbers<[1], [0], [0], [1], [0, 0, 1, 1], [], []>, transpose_lhs_hint = false} : vector<10000x128xf32>, vector<128x128xf32>, vector<10000x128xf32> -> vector<10000x128xf32>
    %get3A_18 = arith.constant 0 : index
    %get3A_19 = arith.constant 0 : index
    %get3A_20 = vector.load %arg4[%get3A_18, %get3A_19] : memref<1x128xf32, #tpu.memory_space<vmem>>, vector<1x128xf32>
    %add3A_21 = vector.broadcast %get3A_20 : vector<1x128xf32> to vector<10000x128xf32>
    %add3A_22 = arith.addf %dot_general3A_17, %add3A_21 : vector<10000x128xf32>
    %reduce_sum3A = arith.constant dense<0.000000e+00> : vector<128xf32>
    %reduce_sum3A_23 = vector.multi_reduction <add>, %add3A_22, %reduce_sum3A [0] : vector<10000x128xf32> to vector<128xf32>
    %broadcast_in_dim3A = vector.shape_cast %reduce_sum3A_23 : vector<128xf32> to vector<1x128xf32>
    %div3A = arith.constant 1.000000e+04 : f32
    %div3A_24 = vector.broadcast %div3A : f32 to vector<1x128xf32>
    %div3A_25 = arith.divf %broadcast_in_dim3A, %div3A_24 : vector<1x128xf32>
    %sub3A = vector.broadcast %div3A_25 : vector<1x128xf32> to vector<10000x128xf32>
    %sub3A_26 = arith.subf %add3A_22, %sub3A : vector<10000x128xf32>
    %integer_pow3A = arith.mulf %sub3A_26, %sub3A_26 : vector<10000x128xf32>
    %reduce_sum3A_27 = arith.constant dense<0.000000e+00> : vector<128xf32>
    %reduce_sum3A_28 = vector.multi_reduction <add>, %integer_pow3A, %reduce_sum3A_27 [0] : vector<10000x128xf32> to vector<128xf32>
    %broadcast_in_dim3A_29 = vector.shape_cast %reduce_sum3A_28 : vector<128xf32> to vector<1x128xf32>
    %div3A_30 = arith.constant 1.000000e+04 : f32
    %div3A_31 = vector.broadcast %div3A_30 : f32 to vector<1x128xf32>
    %div3A_32 = arith.divf %broadcast_in_dim3A_29, %div3A_31 : vector<1x128xf32>
    %sub3A_33 = vector.broadcast %div3A_25 : vector<1x128xf32> to vector<10000x128xf32>
    %sub3A_34 = arith.subf %add3A_22, %sub3A_33 : vector<10000x128xf32>
    %add3A_35 = arith.constant 9.99999974E-6 : f32
    %add3A_36 = vector.broadcast %add3A_35 : f32 to vector<1x128xf32>
    %add3A_37 = arith.addf %div3A_32, %add3A_36 : vector<1x128xf32>
    %rsqrt3A = math.rsqrt %add3A_37 : vector<1x128xf32>
    %mul3A_38 = vector.broadcast %rsqrt3A : vector<1x128xf32> to vector<10000x128xf32>
    %mul3A_39 = arith.mulf %sub3A_34, %mul3A_38 : vector<10000x128xf32>
    %get3A_40 = arith.constant 0 : index
    %get3A_41 = arith.constant 0 : index
    %get3A_42 = vector.load %arg5[%get3A_40, %get3A_41] : memref<1x128xf32, #tpu.memory_space<vmem>>, vector<1x128xf32>
    %mul3A_43 = vector.broadcast %get3A_42 : vector<1x128xf32> to vector<10000x128xf32>
    %mul3A_44 = arith.mulf %mul3A_39, %mul3A_43 : vector<10000x128xf32>
    %get3A_45 = arith.constant 0 : index
    %get3A_46 = arith.constant 0 : index
    %get3A_47 = vector.load %arg6[%get3A_45, %get3A_46] : memref<1x128xf32, #tpu.memory_space<vmem>>, vector<1x128xf32>
    %add3A_48 = vector.broadcast %get3A_47 : vector<1x128xf32> to vector<10000x128xf32>
    %add3A_49 = arith.addf %mul3A_44, %add3A_48 : vector<10000x128xf32>
    %max3A = arith.constant 0.000000e+00 : f32
    %max3A_50 = vector.broadcast %max3A : f32 to vector<10000x128xf32>
    %max3A_51 = arith.maximumf %add3A_49, %max3A_50 : vector<10000x128xf32>
    %get3A_52 = arith.constant 0 : index
    %get3A_53 = arith.constant 0 : index
    %get3A_54 = vector.load %arg7[%get3A_52, %get3A_53] : memref<128x128xf32, #tpu.memory_space<vmem>>, vector<128x128xf32>
    %dot_general3A_55 = arith.constant dense<0.000000e+00> : vector<10000x128xf32>
    %dot_general3A_56 = tpu.matmul %max3A_51, %get3A_54, %dot_general3A_55 {dimension_numbers = #tpu.dot_dimension_numbers<[1], [0], [0], [1], [0, 0, 1, 1], [], []>, transpose_lhs_hint = false} : vector<10000x128xf32>, vector<128x128xf32>, vector<10000x128xf32> -> vector<10000x128xf32>
    %get3A_57 = arith.constant 0 : index
    %get3A_58 = arith.constant 0 : index
    %get3A_59 = vector.load %arg8[%get3A_57, %get3A_58] : memref<1x128xf32, #tpu.memory_space<vmem>>, vector<1x128xf32>
    %add3A_60 = vector.broadcast %get3A_59 : vector<1x128xf32> to vector<10000x128xf32>
    %add3A_61 = arith.addf %dot_general3A_56, %add3A_60 : vector<10000x128xf32>
    %max3A_62 = arith.constant 0.000000e+00 : f32
    %max3A_63 = vector.broadcast %max3A_62 : f32 to vector<10000x128xf32>
    %max3A_64 = arith.maximumf %add3A_61, %max3A_63 : vector<10000x128xf32>
    %swap3A = arith.constant 0 : index
    %swap3A_65 = arith.constant 0 : index
    %swap3A_66 = vector.load %arg10[%swap3A, %swap3A_65] : memref<10000x128xf32, #tpu.memory_space<vmem>>, vector<10000x128xf32>
    tpu.vector_store %arg10[%swap3A, %swap3A_65], %max3A_64 {strides = array<i32>} : memref<10000x128xf32, #tpu.memory_space<vmem>>, vector<10000x128xf32>,
    return
  }
}

module attributes {stable_mosaic.version = 14 : i64} {
  func.func @_dense_body(%arg0: memref<10000x128xf32, #tpu.memory_space<vmem>>, %arg1: memref<10000x128xf32, #tpu.memory_space<vmem>>, %arg2: memref<10000x128xf32, #tpu.memory_space<vmem>>, %arg3: memref<128x128xf32, #tpu.memory_space<vmem>>, %arg4: memref<1x128xf32, #tpu.memory_space<vmem>>, %arg5: memref<1x128xf32, #tpu.memory_space<vmem>>, %arg6: memref<1x128xf32, #tpu.memory_space<vmem>>, %arg7: memref<128x128xf32, #tpu.memory_space<vmem>>, %arg8: memref<1x128xf32, #tpu.memory_space<vmem>>, %arg9: memref<1x1xf32, #tpu.memory_space<vmem>>, %arg10: memref<10000x1xi32, #tpu.memory_space<vmem>>, %arg11: memref<128x10xf32, #tpu.memory_space<vmem>>, %arg12: memref<1x10xf32, #tpu.memory_space<vmem>>, %arg13: memref<128x10xf32, #tpu.memory_space<vmem>>) attributes {dimension_semantics = [], scalar_prefetch = 0 : i64, scratch_operands = 0 : i64, tpu.core_type = #tpu.core_type<tc>} {
    %get3A = arith.constant 0 : index
    %get3A_0 = arith.constant 0 : index
    %get3A_1 = vector.load %arg1[%get3A, %get3A_0] : memref<10000x128xf32, #tpu.memory_space<vmem>>, vector<10000x128xf32>
    %get3A_2 = arith.constant 0 : index
    %get3A_3 = arith.constant 0 : index
    %get3A_4 = vector.load %arg2[%get3A_2, %get3A_3] : memref<10000x128xf32, #tpu.memory_space<vmem>>, vector<10000x128xf32>
    %add3A = arith.addf %get3A_1, %get3A_4 : vector<10000x128xf32>
    %get3A_5 = arith.constant 0 : index
    %get3A_6 = arith.constant 0 : index
    %get3A_7 = vector.load %arg9[%get3A_5, %get3A_6] : memref<1x1xf32, #tpu.memory_space<vmem>>, vector<1x1xf32>
    %get3A_8 = vector.extract %get3A_7[0, 0] : f32 from vector<1x1xf32>
    %get3A_9 = arith.constant 0 : index
    %get3A_10 = arith.constant 0 : index
    %get3A_11 = vector.load %arg0[%get3A_9, %get3A_10] : memref<10000x128xf32, #tpu.memory_space<vmem>>, vector<10000x128xf32>
    %mul3A = vector.broadcast %get3A_8 : f32 to vector<10000x128xf32>
    %mul3A_12 = arith.mulf %mul3A, %get3A_11 : vector<10000x128xf32>
    %add3A_13 = arith.addf %add3A, %mul3A_12 : vector<10000x128xf32>
    %get3A_14 = arith.constant 0 : index
    %get3A_15 = arith.constant 0 : index
    %get3A_16 = vector.load %arg3[%get3A_14, %get3A_15] : memref<128x128xf32, #tpu.memory_space<vmem>>, vector<128x128xf32>
    %dot_general3A = arith.constant dense<0.000000e+00> : vector<10000x128xf32>
    %dot_general3A_17 = tpu.matmul %add3A_13, %get3A_16, %dot_general3A {dimension_numbers = #tpu.dot_dimension_numbers<[1], [0], [0], [1], [0, 0, 1, 1], [], []>, transpose_lhs_hint = false} : vector<10000x128xf32>, vector<128x128xf32>, vector<10000x128xf32> -> vector<10000x128xf32>
    %get3A_18 = arith.constant 0 : index
    %get3A_19 = arith.constant 0 : index
    %get3A_20 = vector.load %arg4[%get3A_18, %get3A_19] : memref<1x128xf32, #tpu.memory_space<vmem>>, vector<1x128xf32>
    %add3A_21 = vector.broadcast %get3A_20 : vector<1x128xf32> to vector<10000x128xf32>
    %add3A_22 = arith.addf %dot_general3A_17, %add3A_21 : vector<10000x128xf32>
    %reduce_sum3A = arith.constant dense<0.000000e+00> : vector<128xf32>
    %reduce_sum3A_23 = vector.multi_reduction <add>, %add3A_22, %reduce_sum3A [0] : vector<10000x128xf32> to vector<128xf32>
    %broadcast_in_dim3A = vector.shape_cast %reduce_sum3A_23 : vector<128xf32> to vector<1x128xf32>
    %div3A = arith.constant 1.000000e+04 : f32
    %div3A_24 = vector.broadcast %div3A : f32 to vector<1x128xf32>
    %div3A_25 = arith.divf %broadcast_in_dim3A, %div3A_24 : vector<1x128xf32>
    %sub3A = vector.broadcast %div3A_25 : vector<1x128xf32> to vector<10000x128xf32>
    %sub3A_26 = arith.subf %add3A_22, %sub3A : vector<10000x128xf32>
    %integer_pow3A = arith.mulf %sub3A_26, %sub3A_26 : vector<10000x128xf32>
    %reduce_sum3A_27 = arith.constant dense<0.000000e+00> : vector<128xf32>
    %reduce_sum3A_28 = vector.multi_reduction <add>, %integer_pow3A, %reduce_sum3A_27 [0] : vector<10000x128xf32> to vector<128xf32>
    %broadcast_in_dim3A_29 = vector.shape_cast %reduce_sum3A_28 : vector<128xf32> to vector<1x128xf32>
    %div3A_30 = arith.constant 1.000000e+04 : f32
    %div3A_31 = vector.broadcast %div3A_30 : f32 to vector<1x128xf32>
    %div3A_32 = arith.divf %broadcast_in_dim3A_29, %div3A_31 : vector<1x128xf32>
    %sub3A_33 = vector.broadcast %div3A_25 : vector<1x128xf32> to vector<10000x128xf32>
    %sub3A_34 = arith.subf %add3A_22, %sub3A_33 : vector<10000x128xf32>
    %add3A_35 = arith.constant 9.99999974E-6 : f32
    %add3A_36 = vector.broadcast %add3A_35 : f32 to vector<1x128xf32>
    %add3A_37 = arith.addf %div3A_32, %add3A_36 : vector<1x128xf32>
    %rsqrt3A = math.rsqrt %add3A_37 : vector<1x128xf32>
    %mul3A_38 = vector.broadcast %rsqrt3A : vector<1x128xf32> to vector<10000x128xf32>
    %mul3A_39 = arith.mulf %sub3A_34, %mul3A_38 : vector<10000x128xf32>
    %get3A_40 = arith.constant 0 : index
    %get3A_41 = arith.constant 0 : index
    %get3A_42 = vector.load %arg5[%get3A_40, %get3A_41] : memref<1x128xf32, #tpu.memory_space<vmem>>, vector<1x128xf32>
    %mul3A_43 = vector.broadcast %get3A_42 : vector<1x128xf32> to vector<10000x128xf32>
    %mul3A_44 = arith.mulf %mul3A_39, %mul3A_43 : vector<10000x128xf32>
    %get3A_45 = arith.constant 0 : index
    %get3A_46 = arith.constant 0 : index
    %get3A_47 = vector.load %arg6[%get3A_45, %get3A_46] : memref<1x128xf32, #tpu.memory_space<vmem>>, vector<1x128xf32>
    %add3A_48 = vector.broadcast %get3A_47 : vector<1x128xf32> to vector<10000x128xf32>
    %add3A_49 = arith.addf %mul3A_44, %add3A_48 : vector<10000x128xf32>
    %max3A = arith.constant 0.000000e+00 : f32
    %max3A_50 = vector.broadcast %max3A : f32 to vector<10000x128xf32>
    %max3A_51 = arith.maximumf %add3A_49, %max3A_50 : vector<10000x128xf32>
    %get3A_52 = arith.constant 0 : index
    %get3A_53 = arith.constant 0 : index
    %get3A_54 = vector.load %arg7[%get3A_52, %get3A_53] : memref<128x128xf32, #tpu.memory_space<vmem>>, vector<128x128xf32>
    %dot_general3A_55 = arith.constant dense<0.000000e+00> : vector<10000x128xf32>
    %dot_general3A_56 = tpu.matmul %max3A_51, %get3A_54, %dot_general3A_55 {dimension_numbers = #tpu.dot_dimension_numbers<[1], [0], [0], [1], [0, 0, 1, 1], [], []>, transpose_lhs_hint = false} : vector<10000x128xf32>, vector<128x128xf32>, vector<10000x128xf32> -> vector<10000x128xf32>
    %get3A_57 = arith.constant 0 : index
    %get3A_58 = arith.constant 0 : index
    %get3A_59 = vector.load %arg8[%get3A_57, %get3A_58] : memref<1x128xf32, #tpu.memory_space<vmem>>, vector<1x128xf32>
    %add3A_60 = vector.broadcast %get3A_59 : vector<1x128xf32> to vector<10000x128xf32>
    %add3A_61 = arith.addf %dot_general3A_56, %add3A_60 : vector<10000x128xf32>
    %iota3A = tpu.iota {dimensions = array<i32: 1>} : vector<1x128xi32>
    %get3A_62 = arith.constant 0 : index
    %get3A_63 = arith.constant 0 : index
    %get3A_64 = vector.load %arg10[%get3A_62, %get3A_63] : memref<10000x1xi32, #tpu.memory_space<vmem>>, vector<10000x1xi32>
    %eq3A = vector.broadcast %get3A_64 : vector<10000x1xi32> to vector<10000x128xi32>
    %eq3A_65 = vector.broadcast %iota3A : vector<1x128xi32> to vector<10000x128xi32>
    %eq3A_66 = arith.cmpi eq, %eq3A, %eq3A_65 : vector<10000x128xi32>
    %convert_element_type3A = arith.extui %eq3A_66 : vector<10000x128xi1> to vector<10000x128xi32>
    %convert_element_type3A_67 = arith.sitofp %convert_element_type3A : vector<10000x128xi32> to vector<10000x128xf32>
    %dot_general3A_68 = arith.constant dense<0.000000e+00> : vector<128x128xf32>
    %dot_general3A_69 = tpu.matmul %convert_element_type3A_67, %add3A_61, %dot_general3A_68 {dimension_numbers = #tpu.dot_dimension_numbers<[0], [0], [1], [1], [0, 1, 1, 1], [], []>, transpose_lhs_hint = false} : vector<10000x128xf32>, vector<10000x128xf32>, vector<128x128xf32> -> vector<128x128xf32>
    %broadcast_in_dim3A_70 = arith.constant 1.000000e+00 : f32
    %broadcast_in_dim3A_71 = vector.broadcast %broadcast_in_dim3A_70 : f32 to vector<10000x1xf32>
    %dot_general3A_72 = arith.constant dense<0.000000e+00> : vector<128x1xf32>
    %dot_general3A_73 = tpu.matmul %convert_element_type3A_67, %broadcast_in_dim3A_71, %dot_general3A_72 {dimension_numbers = #tpu.dot_dimension_numbers<[0], [0], [1], [1], [0, 1, 1, 1], [], []>, transpose_lhs_hint = false} : vector<10000x128xf32>, vector<10000x1xf32>, vector<128x1xf32> -> vector<128x1xf32>
    %max3A_74 = arith.constant 1.000000e+00 : f32
    %max3A_75 = vector.broadcast %max3A_74 : f32 to vector<128x1xf32>
    %max3A_76 = arith.maximumf %dot_general3A_73, %max3A_75 : vector<128x1xf32>
    %div3A_77 = vector.broadcast %max3A_76 : vector<128x1xf32> to vector<128x128xf32>
    %div3A_78 = arith.divf %dot_general3A_69, %div3A_77 : vector<128x128xf32>
    %get3A_79 = arith.constant 0 : index
    %get3A_80 = arith.constant 0 : index
    %get3A_81 = vector.load %arg11[%get3A_79, %get3A_80] : memref<128x10xf32, #tpu.memory_space<vmem>>, vector<128x10xf32>
    %dot_general3A_82 = arith.constant dense<0.000000e+00> : vector<128x10xf32>
    %dot_general3A_83 = tpu.matmul %div3A_78, %get3A_81, %dot_general3A_82 {dimension_numbers = #tpu.dot_dimension_numbers<[1], [0], [0], [1], [0, 0, 1, 1], [], []>, transpose_lhs_hint = false} : vector<128x128xf32>, vector<128x10xf32>, vector<128x10xf32> -> vector<128x10xf32>
    %get3A_84 = arith.constant 0 : index
    %get3A_85 = arith.constant 0 : index
    %get3A_86 = vector.load %arg12[%get3A_84, %get3A_85] : memref<1x10xf32, #tpu.memory_space<vmem>>, vector<1x10xf32>
    %add3A_87 = vector.broadcast %get3A_86 : vector<1x10xf32> to vector<128x10xf32>
    %add3A_88 = arith.addf %dot_general3A_83, %add3A_87 : vector<128x10xf32>
    %swap3A = arith.constant 0 : index
    %swap3A_89 = arith.constant 0 : index
    %swap3A_90 = vector.load %arg13[%swap3A, %swap3A_89] : memref<128x10xf32, #tpu.memory_space<vmem>>, vector<128x10xf32>
    tpu.vector_store %arg13[%swap3A, %swap3A_89], %add3A_88 {strides = array<i32>} : memref<128x10xf32, #tpu.memory_space<vmem>>, vector<128x10xf32>,
    return
  }
}

</mosaic_0001>

<sc_bundles>
// kernel: kernel.11.cloned.1.call-start
scs
__scs_entry_jumppad:
0x0: {  	(pc) =	sbr.rel $0x88, $3  }
0x1: {  	(tag) =	ssettag $0x0;
	lr =	simm.s32 $0x1  }
0x2: {  	[smem:$0x3F95] =	sst lr;
	_ =	strace $0xD0000000  }
0x3: {  	_ = 	snop  }
0x4: {  	_ = 	snop  }
0x5: {  	_ = 	snop  }
0x6: {  	_ = 	snop  }
0x7: {  	_ = 	snop  }
__scs_overlays_trampoline_lowered:
0x8: {  	[smem:$0x3FA4] =	sst s0  }
0x9: {  	[smem:$0x3FA5] =	sst s1  }
0xa: {  	[smem:$0x3FA6] =	sst s2  }
0xb: {  	[smem:$0x3FA7] =	sst s3  }
0xc: {  	[smem:$0x3FA8] =	sst s4  }
0xd: {  	[smem:$0x3FA9] =	sst s5  }
0xe: {  	[smem:$0x3FAA] =	sst s6  }
0xf: {  	[smem:$0x3FAB] =	sst s7  }
0x10: {  	[smem:$0x3FAC] =	sst s8  }
0x11: {  	[smem:$0x3FAD] =	sst s9;
	s0 =	simm.s32 @!p0 $0x0  }
0x12: {  	s1 =	sld [smem:$0x3F93];
	s0 =	simm.s32 @p0 $0x1  }
0x13: {  	[smem:$0x3FAE] =	sst s0;
	s0 =	simm.s32 @!p1 $0x0  }
0x14: {  	s2 =	sld [smem:$0x3F92];
	s0 =	simm.s32 @p1 $0x1  }
0x15: {  	[smem:$0x3FAF] =	sst s0;
	s0 =	simm.s32 @!p2 $0x0  }
0x16: {  	s3 =	sld [smem:$0x3FDB];
	s0 =	simm.s32 @p2 $0x1  }
0x17: {  	s4 =	simm.s32 $0x1BF5;
	[smem:$0x3FB1] =	sst s0  }
0x18: {  	s0 =	sld [smem:$0x3F94];
	_ =	swait.ge [sflag:s4], $0x0  }
0x19: {  	s7 =	sld [smem:$0x3F95]  }
0x1a: {  	s8 =	sadd.s32 $0xFFFFE003, lr  }
0x1b: {  	s9 =	sadd.s32 $0xFFFFFEF7, lr;
	s5 =	simm.s32 $0xFFFFFFFF;
	p2 =	slt.u32 s8, $0xFFFFF086  }
0x1c: {  	p1 =	slt.u32 s9, $0xF7A;
	s5 =	simm.s32 @!p2 $0x0  }
0x1d: {  	s5 =	simm.s32 @p1 $0x1;
	p0 =	seq.s32 s7, s2  }
0x1e: {  	s7 =	smul.u32 @!p0 $0xF7A, s2;
	p2 =	seq.s32 @!p0 s5, $0x0  }
0x1f: {  	s9 =	smul.u32 $0xF7A, s1;
	s8 =	simm.s32 @!p0 $0x1BF5;
	p2 =	por !p2, p0  }
0x20: {  	[sflag:s8] =	ssyncset.s32 @!p0 $0xFFFFF086;
	s6 =	sadd.s32 @!p0 s3, s7;
	s7 =	simm.s32 @!p0 $0x108  }
0x21: {  	s3 =	sadd.s32 s3, s9;
	s6 =	sadd.s32 @!p0 $0x88, s6;
	s7 =	simm.s32 @p2 $0x1082  }
0x22: {  	[simem:s7], [sflag:s8] =	dma.local @!p0 [hbm:s6], $0xF7A  }
0x23: {  	s9 =	sor.u32 $0xD0000000, s2;
	s6 =	simm.s32 $0x108;
	_ =	swait.ge @!p0 [sflag:s8], $0x0  }
0x24: {  	s3 =	sadd.s32 $0x88, s3;
	s6 =	simm.s32 @!p1 $0x1082;
	[sflag:s4] =	ssyncset.s32 $0xFFFFF086  }
0x25: {  	[simem:s6], [sflag:s4] =	dma.local [hbm:s3], $0xF7A  }
0x26: {  	[smem:$0x3F95] =	sst s1;
	(tag) =	ssettag s2;
	_ =	strace s9  }
0x27: {  	s1 =	sld [smem:$0x3FA5]  }
0x28: {  	s2 =	sld [smem:$0x3FA6]  }
0x29: {  	s4 =	sld [smem:$0x3FA8]  }
0x2a: {  	p0 =	seq.s32 s5, $0x0;
	s5 =	sld [smem:$0x3FA9]  }
0x2b: {  	s6 =	sld [smem:$0x3FAA]  }
0x2c: {  	s7 =	sld [smem:$0x3FAB]  }
0x2d: {  	s3 =	simm.s32 $0x108;
	s8 =	sld [smem:$0x3FAC]  }
0x2e: {  	s3 =	simm.s32 @!p0 $0x1082;
	s9 =	sld [smem:$0x3FAD]  }
0x2f: {  	lr =	sadd.s32 s0, s3;
	s0 =	sld [smem:$0x3FA4]  }
0x30: {  	s3 =	sld [smem:$0x3FA7]  }
0x31: {  	[smem:$0x3FB0] =	sst s10  }
0x32: {  	s10 =	sld [smem:$0x3FAE];
	_ =	sdelay $0x3  }
0x33: {  	p0 =	seq.s32 s10, $0x1;
	s10 =	sld [smem:$0x3FB0];
	_ =	sdelay $0x3  }
0x34: {  	[smem:$0x3FB0] =	sst s10  }
0x35: {  	s10 =	sld [smem:$0x3FAF];
	_ =	sdelay $0x3  }
0x36: {  	p1 =	seq.s32 s10, $0x1;
	s10 =	sld [smem:$0x3FB0];
	_ =	sdelay $0x3  }
0x37: {  	[smem:$0x3FB0] =	sst s10  }
0x38: {  	s10 =	sld [smem:$0x3FB1]  }
0x39: {  	_ = 	snop;
	(pc) =	sbr.ind lr, $3  }
0x3a: {  	_ = 	snop  }
0x3b: {  	_ = 	snop  }
0x3c: {  	p2 =	seq.s32 s10, $0x1;
	s10 =	sld [smem:$0x3FB0]  }
0x3d: {  	_ =	shalt  }
0x3e: {  	_ =	shalt  }
0x3f: {  	_ =	shalt  }
0x40: {  	_ =	shalt  }
0x41: {  	_ =	shalt  }
0x42: {  	_ =	shalt  }
0x43: {  	_ =	shalt  }
0x44: {  	_ =	shalt  }
0x45: {  	_ =	shalt  }
0x46: {  	_ =	shalt  }
0x47: {  	_ =	shalt  }
0x48: {  	_ =	shalt  }
0x49: {  	_ =	shalt  }
0x4a: {  	_ =	shalt  }
0x4b: {  	_ =	shalt  }
0x4c: {  	_ =	shalt  }
0x4d: {  	_ =	shalt  }
0x4e: {  	_ =	shalt  }
0x4f: {  	_ =	shalt  }
0x50: {  	_ =	shalt  }
0x51: {  	_ =	shalt  }
0x52: {  	_ =	shalt  }
0x53: {  	_ =	shalt  }
0x54: {  	_ =	shalt  }
0x55: {  	_ =	shalt  }
0x56: {  	_ =	shalt  }
0x57: {  	_ =	shalt  }
0x58: {  	_ =	shalt  }
0x59: {  	_ =	shalt  }
0x5a: {  	_ =	shalt  }
0x5b: {  	_ =	shalt  }
0x5c: {  	_ =	shalt  }
0x5d: {  	_ =	shalt  }
0x5e: {  	_ =	shalt  }
0x5f: {  	_ =	shalt  }
0x60: {  	_ =	shalt  }
0x61: {  	_ =	shalt  }
0x62: {  	_ =	shalt  }
0x63: {  	_ =	shalt  }
0x64: {  	_ =	shalt  }
0x65: {  	_ =	shalt  }
0x66: {  	_ =	shalt  }
0x67: {  	_ =	shalt  }
0x68: {  	_ =	shalt  }
0x69: {  	_ =	shalt  }
0x6a: {  	_ =	shalt  }
0x6b: {  	_ =	shalt  }
0x6c: {  	_ =	shalt  }
0x6d: {  	_ =	shalt  }
0x6e: {  	_ =	shalt  }
0x6f: {  	_ =	shalt  }
0x70: {  	_ =	shalt  }
0x71: {  	_ =	shalt  }
0x72: {  	_ =	shalt  }
0x73: {  	_ =	shalt  }
0x74: {  	_ =	shalt  }
0x75: {  	_ =	shalt  }
0x76: {  	_ =	shalt  }
0x77: {  	_ =	shalt  }
0x78: {  	_ =	shalt  }
0x79: {  	_ =	shalt  }
0x7a: {  	_ =	shalt  }
0x7b: {  	_ =	shalt  }
0x7c: {  	_ =	shalt  }
0x7d: {  	_ =	shalt  }
0x7e: {  	_ =	shalt  }
0x7f: {  	_ =	shalt  }
0x80: {  	_ =	shalt  }
0x81: {  	_ =	shalt  }
0x82: {  	_ =	shalt  }
0x83: {  	_ =	shalt  }
0x84: {  	_ =	shalt  }
0x85: {  	_ =	shalt  }
0x86: {  	_ =	shalt  }
0x87: {  	_ =	shalt  }
.Lfunc_end0:
.L_simem_size_0:
called_computation.1_lowered:
.L_overlay_start_0:
0x88: {  	s2 =	sld [smem:$0x3FD9]  }
0x89: {  	s3 =	sld [smem:$0x3FFE];
	_ =	sdelay $0x1  }
0x8a: {  	s1 =	srdreg.scid  }
0x8b: {  	s0 =	sand.u32 $0x1, s1  }
0x8c: {  	s16 =	sshll.u32 s0, $0xA;
	s2 =	sadd.s32 s3, s2  }
0x8d: {  	s2 =	sadd.s32 s2, s16  }
0x8e: {  	[smem:$0x3FBC] =	sst s2  }
0x8f: {  	_ = 	snop  }
0x90: {  	(tm) =	ssettm $0x1  }
0x91: {  	s17 =	sld [smem:$0x3FFB];
	_ =	sdelay $0x3  }
0x92: {  	_ =	strace s17  }
0x93: {  	s2 =	sld [smem:$0x3FFC];
	_ =	sdelay $0x3  }
0x94: {  	_ =	strace s2  }
0x95: {  	s2 =	sld [smem:$0x3FFD];
	_ =	sdelay $0x3  }
0x96: {  	_ =	strace s2  }
0x97: {  	_ =	strace $0x8FFFFFFF  }
0x98: {  	s18 =	sld [smem:$0x3FDB];
	_ =	sdelay $0x1  }
0x99: {  	s19 =	simm.s32 $_scs_section_size  }
0x9a: {  	s4 =	simm.s32 $_size__tile_overlayer_lowered;
	s5 =	simm.s32 $_tile_overlayer_lowered  }
0x9b: {  	s22 =	simm.s32 $0x1BFF;
	s21 =	sshll.u32 s5, $0x1;
	s2 =	sadd.s32 s19, s18  }
0x9c: {  	s6 =	simm.s32 $0x0;
	s20 =	sshll.u32 s4, $0x1;
	s4 =	sadd.s32 s21, s2  }
0x9d: {  	[timem:s6], [sflag:s22] =	dma.local [hbm:s4], s20  }
0x9e: {  	_ =	swait.ge [sflag:s22], s20  }
0x9f: {  	s3 =	ssub.s32 $0x0, s20;
	[sflag:s22] =	ssyncset.done $0x0  }
0xa0: {  	[sflag:s22] =	ssyncadd.s32 s3;
	_ =	sdelay $0x1  }
0xa1: {  	s23 =	simm.s32 $0x1B8B  }
0xa2: {  	_ =	swait.ge [sflag:s23], $0x1  }
0xa3: {  	[sflag:s23] =	ssyncset.done $0x0  }
0xa4: {  	s25 =	simm.s32 $0x1B8E;
	s24 =	sld [smem:$0x3FFE];
	[sflag:s23] =	ssyncadd.s32 $0xFFFFFFFF  }
0xa5: {  	s26 =	simm.s32 $execute0_lowered;
	[smem:$0x3FD2] =	sst s25  }
0xa6: {  	s4 =	sshll.u32 s26, $0x1;
	_ =	strace $0x80000049;
	[dreg:$0x1] =	wrdreg $0xFFFFFFFF  }
0xa7: {  	s28 =	simm.s32 $_size_execute0_lowered;
	s2 =	sadd.s32 s2, s4;
	[dreg:$0x0] =	wrdreg $0x0  }
0xa8: {  	s4 =	sshll.u32 s28, $0x1;
	[dreg:$0x2] =	wrdreg s2  }
0xa9: {  	[dreg:$0x3] =	wrdreg s4  }
0xaa: {  	[dreg:$0x4] =	wrdreg $0xC0  }
0xab: {  	_ =	task [dreg:s6], $0x5FFFF  }
0xac: {  	[dreg:$0x1] =	wrdreg $0xFFFFFFFF  }
0xad: {  	[dreg:$0x0] =	wrdreg $0x60  }
0xae: {  	[dreg:$0x2] =	wrdreg s24  }
0xaf: {  	[dreg:$0x3] =	wrdreg $0x29000  }
0xb0: {  	[dreg:$0x4] =	wrdreg $0x9  }
0xb1: {  	_ =	task.clear_ibuf [dreg:s6], $0x5FFFF;
	_ =	strace $0x90000049  }
0xb2: {  	s29 =	simm.s32 $0x9;
	_ =	strace $0x8000004B  }
0xb3: {  	_ =	swait.ge [sflag:s29], $0x1  }
0xb4: {  	[sflag:s29] =	ssyncadd.s32 $0xFFFFFFFF  }
0xb5: {  	_ =	strace $0x9000004B  }
0xb6: {  	_ =	sfence  }
0xb7: {  	s30 =	sld [smem:$0x0];
	_ =	sdelay $0x2  }
0xb8: {  	s31 =	sshll.u32 s1, $0xD;
	s1 =	sshrl.u32 s1, $0x2  }
0xb9: {  	s3 =	sand.u32 $0x4000, s31;
	s1 =	sadd.s32 s1, s30  }
0xba: {  	s0 =	sor.u32 s3, s0;
	s1 =	sshll.u32 s1, $0x11  }
0xbb: {  	s0 =	sor.u32 s1, s0  }
0xbc: {  	s0 =	sadd.s32 $0x8F2B, s0  }
0xbd: {  	[sflag:s0] =	ssyncadd.remote.s32 $0x1  }
0xbe: {  	_ =	sfence.sel $0xFFFF  }
0xbf: {  	[dreg:$0x0] =	wrdreg $0xFFFFFFFF;
	(pc) =	sbr.abs _section_cstart, $3  }
0xc0: {  	[dreg:$0x1] =	wrdreg $0xFFFFFFFF  }
0xc1: {  	_ =	task.clear_ibuf [dreg:s6], $0x2FFFF;
	_ =	strace $0x9FFFFFFF  }
0xc2: {  	(tm) =	ssettm $0x7FFFFFFF  }
0xc3: {  	_ =	shalt  }
tec
execute0_lowered:
.L_overlay_start_1:
0x0: {  	(tag) =	ssettag $0x1  }
0x1: {  	s0 =	srdreg.scid;
	s6 =	rddreg [dreg:$0x0]  }
0x2: {  	s12 =	stileid.u32;
	s1 =	rddreg [dreg:$0x1];
	s2 =	simm.s32 $0x0  }
0x3: {  	s16 =	simm.s32 $0x50;
	s17 =	simm.s32 $0x100;
	s18 =	simm.s32 $0x1  }
0x4: {  	s4 =	sand.u32 $0x1, s0;
	s3 =	smul.u32 $0x4E20, s12;
	s0 =	rddreg [dreg:$0x2]  }
0x5: {  	s19 =	simm.s32 $0x0;
	[smem:$0x7FF] =	sst s2;
	s7 =	smul.u32 $0x4E000, s12  }
0x6: {  	s8 =	sadd.s32 $0x66400, s6;
	s10 =	smul.u32 $0x2700, s12;
	s30 =	sshll.u32 s12, $0x6  }
0x7: {  	s15 =	sadd.s32 $0x138000, s1;
	p0 =	sne.s32 s12, $0x0;
	s5 =	smul.u32 $0x2710, s4  }
0x8: {  	_ =	strace $0x8000004A;
	s26 =	ssub.s32 $0x2, s4;
	s29 =	smul.u32 $0x138800, s4  }
0x9: {  	s14 =	smul.u32 $0x27100, s4;
	s9 =	sshrl.u32 s26, $0x1;
	s28 =	sshrl.u32 s7, $0x2  }
0xa: {  	s5 =	sadd.s32 s5, s3;
	s3 =	sadd.s32 $0x17E00, s6;
	s9 =	ssub.s32 s26, s9  }
0xb: {  	s13 =	sadd.s32 s28, s1;
	s7 =	sshrl.u32 s29, $0x3;
	s5 =	sshrl.u32 s5, $0x3  }
0xc: {  	s4 =	sadd.s32 s3, s10;
	s10 =	sadd.s32 s10, s14;
	s31 =	sadd.s32 s8, s7  }
0xd: {  	s9 =	smax.u32 s9, $0x1;
	s12 =	sshrl.u32 s13, $0x3;
	s13 =	simm.s32 $0x2  }
0xe: {  	s14 =	sshrl.u32 @!p0 s15, $0x3;
	s15 =	simm.s32 $0x80;
	s11 =	sadd.s32 s5, s6  }
0xf: {  	s5 =	sor.u32 $0x1C02, s30;
	s6 =	sadd.s32 $0x3EE00, s6;
	s7 =	sadd.s32 s8, s10  }
0x10: {  	s8 =	sadd.s32 $0x27000, s31;
	s10 =	sadd.s32 $0x4200, s11;
	s11 =	sadd.s32 $0xE000, s11  }
.LBB2_1:
0x11: {  	[spmem:s12], [sflag:s5] =	dma.local [hbm:s4], $0x2700  }
0x12: {  	_ =	swait.ge [sflag:s13], $0x2700  }
0x13: {  	[sflag:s13] =	ssyncset.done $0x0  }
0x14: {  	s20 =	simm.s32 @!p0 $0x2;
	[sflag:s13] =	ssyncadd.s32 $0xFFFFD900  }
0x15: {  	[spmem:s14], [sflag:s5] =	dma.local @!p0 [hbm:s6], $0x100  }
0x16: {  	_ =	swait.ge @!p0 [sflag:s20], $0x100  }
0x17: {  	[sflag:s20] =	ssyncset.done @!p0 $0x0  }
0x18: {  	[sflag:s20] =	ssyncadd.s32 @!p0 $0xFFFFFF00  }
0x19: {  	s30 =	sadd.s32 $0x0, s11;
	[bflag:$0x0] =	sbarrier.arrive $0xFFFF  }
0x1a: {  	[tilespmem:s2], [sflag:$0x2] =	stream.linear.gather [hbm4b:s30+s2], $0x50, $0x38;
	[tilespmem:$0x16180] =	vst v63  }
0x1b: {  	_ =	swait.ge [sflag:s13], $0x50  }
0x1c: {  	[sflag:s13] =	ssyncset.done $0x0  }
0x1d: {  	s31 =	sadd.s32 $0x0, s10;
	[sflag:s13] =	ssyncadd.s32 $0xFFFFFFB0  }
0x1e: {  	[tilespmem:s15], [sflag:$0x2] =	stream.linear.gather [hbm4b:s31+s2], $0x50, $0x38;
	[tilespmem:$0x16180] =	vst v63  }
0x1f: {  	_ =	swait.ge [sflag:s13], $0x50  }
0x20: {  	[sflag:s13] =	ssyncset.done $0x0  }
0x21: {  	[sflag:s13] =	ssyncadd.s32 $0xFFFFFFB0  }
0x22: {  	[tilespmem:s17], [sflag:$0x1] =	stream.indirect.gather [hbm4b:s3+s16], $0x80, s2, s16, $0xb8;
	[tilespmem:$0x16180] =	vst v63  }
0x23: {  	_ =	swait.ge [sflag:s18], $0x2800  }
0x24: {  	[sflag:s18] =	ssyncset.done $0x0  }
0x25: {  	[sflag:s18] =	ssyncadd.s32 $0xFFFFD800  }
0x26: {  	[spmem:s1] =	stream.indirect.scatter.add.f32 [tilespmem:s17], [sflag:$0x2], $0x80, s15, s16, $0xb8;
	[tilespmem:$0x16180] =	vst v63  }
0x27: {  	_ =	swait.ge [sflag:s13], $0x2800  }
0x28: {  	s21 =	simm.s32 $0x14;
	s20 =	simm.s32 $0xA;
	[sflag:s13] =	ssyncset.done $0x0  }
.LBB2_2:
0x29: {  	s22 =	sadd.s32 s20, s11  }
0x2a: {  	[sflag:s13] =	ssyncadd.s32 $0xFFFFD800;
	s23 =	smov.u32 s21;
	s24 =	sadd.s32 $0xA, s21  }
0x2b: {  	[tilespmem:s2], [sflag:$0x2] =	stream.linear.gather [hbm4b:s22+s2], $0x50, $0x38;
	[tilespmem:$0x16180] =	vst v63  }
0x2c: {  	p1 =	sne.s32 s21, $0x4D8;
	_ =	swait.ge [sflag:s13], $0x50  }
0x2d: {  	[sflag:s13] =	ssyncset.done $0x0  }
0x2e: {  	s21 =	sadd.s32 s20, s10;
	s20 =	smov.u32 s23;
	[sflag:s13] =	ssyncadd.s32 $0xFFFFFFB0  }
0x2f: {  	[tilespmem:s15], [sflag:$0x2] =	stream.linear.gather [hbm4b:s21+s2], $0x50, $0x38;
	[tilespmem:$0x16180] =	vst v63  }
0x30: {  	_ =	swait.ge [sflag:s13], $0x50  }
0x31: {  	[sflag:s13] =	ssyncset.done $0x0  }
0x32: {  	[sflag:s13] =	ssyncadd.s32 $0xFFFFFFB0  }
0x33: {  	[tilespmem:s17], [sflag:$0x1] =	stream.indirect.gather [hbm4b:s3+s16], $0x80, s2, s16, $0xb8;
	[tilespmem:$0x16180] =	vst v63  }
0x34: {  	_ =	swait.ge [sflag:s18], $0x2800  }
.Ltmp0:
0x35: {  	[sflag:s18] =	ssyncset.done $0x0;
	(pc) =	sbr.rel @p1 .LBB2_2-.Ltmp0, $4  }
0x36: {  	[sflag:s18] =	ssyncadd.s32 $0xFFFFD800  }
0x37: {  	[spmem:s1] =	stream.indirect.scatter.add.f32 [tilespmem:s17], [sflag:$0x2], $0x80, s15, s16, $0xb8;
	[tilespmem:$0x16180] =	vst v63  }
0x38: {  	_ =	swait.ge [sflag:s13], $0x2800  }
0x39: {  	s21 =	smov.u32 s24;
	[sflag:s13] =	ssyncset.done $0x0  }
0x3a: {  	s21 =	sadd.s32 s20, s11;
	[sflag:s13] =	ssyncadd.s32 $0xFFFFD800  }
0x3b: {  	[tilespmem:s2], [sflag:$0x2] =	stream.linear.gather [hbm4b:s21+s2], $0x50, $0x38;
	[tilespmem:$0x16180] =	vst v63  }
0x3c: {  	_ =	swait.ge [sflag:s13], $0x50  }
0x3d: {  	[sflag:s13] =	ssyncset.done $0x0  }
0x3e: {  	s31 =	sadd.s32 s20, s10;
	[sflag:s13] =	ssyncadd.s32 $0xFFFFFFB0  }
0x3f: {  	[tilespmem:s15], [sflag:$0x2] =	stream.linear.gather [hbm4b:s31+s2], $0x50, $0x38;
	[tilespmem:$0x16180] =	vst v63  }
0x40: {  	_ =	swait.ge [sflag:s13], $0x50  }
0x41: {  	[sflag:s13] =	ssyncset.done $0x0  }
0x42: {  	[sflag:s13] =	ssyncadd.s32 $0xFFFFFFB0  }
0x43: {  	[tilespmem:s17], [sflag:$0x1] =	stream.indirect.gather [hbm4b:s3+s16], $0x80, s2, s16, $0xb8;
	[tilespmem:$0x16180] =	vst v63  }
0x44: {  	_ =	swait.ge [sflag:s18], $0x2800  }
0x45: {  	[sflag:s18] =	ssyncset.done $0x0  }
0x46: {  	[sflag:s18] =	ssyncadd.s32 $0xFFFFD800  }
0x47: {  	[spmem:s1] =	stream.indirect.scatter.add.f32 [tilespmem:s17], [sflag:$0x2], $0x80, s15, s16, $0xb8;
	[tilespmem:$0x16180] =	vst v63  }
0x48: {  	_ =	swait.ge [sflag:s13], $0x2800  }
0x49: {  	[sflag:s13] =	ssyncset.done $0x0  }
0x4a: {  	[sflag:s13] =	ssyncadd.s32 $0xFFFFD800  }
0x4b: {  	[bflag:$0x0] =	sbarrier.arrive $0xFFFF  }
0x4c: {  	[hbm:s7], [sflag:s5] =	dma.local [spmem:s12], $0x2700  }
0x4d: {  	s19 =	sadd.s32 $0x1, s19;
	_ =	swait.ge [sflag:s13], $0x2700  }
0x4e: {  	p1 =	sne.s32 s19, s9;
	[sflag:s13] =	ssyncset.done $0x0  }
.Ltmp1:
0x4f: {  	s20 =	simm.s32 @!p0 $0x2;
	[sflag:s13] =	ssyncadd.s32 $0xFFFFD900;
	(pc) =	sbr.rel @p1 .LBB2_1-.Ltmp1, $4  }
0x50: {  	[hbm:s8], [sflag:s5] =	dma.local @!p0 [spmem:s14], $0x100  }
0x51: {  	_ =	swait.ge @!p0 [sflag:s20], $0x100  }
0x52: {  	[sflag:s20] =	ssyncset.done @!p0 $0x0  }
0x53: {  	[sflag:s20] =	ssyncadd.s32 @!p0 $0xFFFFFF00  }
0x54: {  	_ =	sfence.sel $0x180000  }
0x55: {  	[bflag:$0x0] =	sbarrier.arrive $0xFFFF  }
0x56: {  	_ =	strace $0x9000004A  }
0x57: {  	s0 =	sadd.s32 @!p0 $0x100000, s0;
	[bflag:$0x2] =	sbarrier.arrive $0xFFFF  }
0x58: {  	[sflag:s0] =	ssyncadd.tile.s32 @!p0 $0x1;
	_ =	shalt  }
.Lfunc_end2:
_tile_overlayer_lowered:
.L_overlay_start_2:
0x59: {  	(tag) =	ssettag $0x2  }
0x5a: {  	s0 =	rddreg [dreg:$0x0];
	s2 =	stileid.u32  }
0x5b: {  	s1 =	rddreg [dreg:$0x1];
	p0 =	sne.s32 s2, $0x0  }
0x5c: {  	s3 =	rddreg [dreg:$0x2];
	[bflag:$0x3] =	sbarrier.arrive $0xFFFF;
	s2 =	simm.s32 @!p0 $0x1C02  }
0x5d: {  	[timem:s3], [sflag:s2] =	dma.local @!p0 [hbm:s0], s1  }
0x5e: {  	s0 =	simm.s32 @!p0 $0x2  }
0x5f: {  	_ =	swait.ge @!p0 [sflag:s0], s1  }
0x60: {  	s1 =	ssub.s32 @!p0 $0x0, s1;
	[sflag:s0] =	ssyncset.done @!p0 $0x0  }
0x61: {  	[sflag:s0] =	ssyncadd.s32 @!p0 s1  }
0x62: {  	[bflag:$0x3] =	sbarrier.arrive $0xFFFF  }
0x63: {  	_ =	shalt  }

// kernel: kernel.14.cloned.1.call-start
scs
__scs_entry_jumppad:
0x0: {  	(pc) =	sbr.rel $0x88, $3  }
0x1: {  	(tag) =	ssettag $0x0;
	lr =	simm.s32 $0x1  }
0x2: {  	[smem:$0x3F95] =	sst lr;
	_ =	strace $0xD0000000  }
0x3: {  	_ = 	snop  }
0x4: {  	_ = 	snop  }
0x5: {  	_ = 	snop  }
0x6: {  	_ = 	snop  }
0x7: {  	_ = 	snop  }
__scs_overlays_trampoline_lowered:
0x8: {  	[smem:$0x3FA4] =	sst s0  }
0x9: {  	[smem:$0x3FA5] =	sst s1  }
0xa: {  	[smem:$0x3FA6] =	sst s2  }
0xb: {  	[smem:$0x3FA7] =	sst s3  }
0xc: {  	[smem:$0x3FA8] =	sst s4  }
0xd: {  	[smem:$0x3FA9] =	sst s5  }
0xe: {  	[smem:$0x3FAA] =	sst s6  }
0xf: {  	[smem:$0x3FAB] =	sst s7  }
0x10: {  	[smem:$0x3FAC] =	sst s8  }
0x11: {  	[smem:$0x3FAD] =	sst s9;
	s0 =	simm.s32 @!p0 $0x0  }
0x12: {  	s1 =	sld [smem:$0x3F93];
	s0 =	simm.s32 @p0 $0x1  }
0x13: {  	[smem:$0x3FAE] =	sst s0;
	s0 =	simm.s32 @!p1 $0x0  }
0x14: {  	s2 =	sld [smem:$0x3F92];
	s0 =	simm.s32 @p1 $0x1  }
0x15: {  	[smem:$0x3FAF] =	sst s0;
	s0 =	simm.s32 @!p2 $0x0  }
0x16: {  	s3 =	sld [smem:$0x3FDB];
	s0 =	simm.s32 @p2 $0x1  }
0x17: {  	s4 =	simm.s32 $0x1BF5;
	[smem:$0x3FB1] =	sst s0  }
0x18: {  	s0 =	sld [smem:$0x3F94];
	_ =	swait.ge [sflag:s4], $0x0  }
0x19: {  	s7 =	sld [smem:$0x3F95]  }
0x1a: {  	s8 =	sadd.s32 $0xFFFFE003, lr  }
0x1b: {  	s9 =	sadd.s32 $0xFFFFFEF7, lr;
	s5 =	simm.s32 $0xFFFFFFFF;
	p2 =	slt.u32 s8, $0xFFFFF086  }
0x1c: {  	p1 =	slt.u32 s9, $0xF7A;
	s5 =	simm.s32 @!p2 $0x0  }
0x1d: {  	s5 =	simm.s32 @p1 $0x1;
	p0 =	seq.s32 s7, s2  }
0x1e: {  	s7 =	smul.u32 @!p0 $0xF7A, s2;
	p2 =	seq.s32 @!p0 s5, $0x0  }
0x1f: {  	s9 =	smul.u32 $0xF7A, s1;
	s8 =	simm.s32 @!p0 $0x1BF5;
	p2 =	por !p2, p0  }
0x20: {  	[sflag:s8] =	ssyncset.s32 @!p0 $0xFFFFF086;
	s6 =	sadd.s32 @!p0 s3, s7;
	s7 =	simm.s32 @!p0 $0x108  }
0x21: {  	s3 =	sadd.s32 s3, s9;
	s6 =	sadd.s32 @!p0 $0x88, s6;
	s7 =	simm.s32 @p2 $0x1082  }
0x22: {  	[simem:s7], [sflag:s8] =	dma.local @!p0 [hbm:s6], $0xF7A  }
0x23: {  	s9 =	sor.u32 $0xD0000000, s2;
	s6 =	simm.s32 $0x108;
	_ =	swait.ge @!p0 [sflag:s8], $0x0  }
0x24: {  	s3 =	sadd.s32 $0x88, s3;
	s6 =	simm.s32 @!p1 $0x1082;
	[sflag:s4] =	ssyncset.s32 $0xFFFFF086  }
0x25: {  	[simem:s6], [sflag:s4] =	dma.local [hbm:s3], $0xF7A  }
0x26: {  	[smem:$0x3F95] =	sst s1;
	(tag) =	ssettag s2;
	_ =	strace s9  }
0x27: {  	s1 =	sld [smem:$0x3FA5]  }
0x28: {  	s2 =	sld [smem:$0x3FA6]  }
0x29: {  	s4 =	sld [smem:$0x3FA8]  }
0x2a: {  	p0 =	seq.s32 s5, $0x0;
	s5 =	sld [smem:$0x3FA9]  }
0x2b: {  	s6 =	sld [smem:$0x3FAA]  }
0x2c: {  	s7 =	sld [smem:$0x3FAB]  }
0x2d: {  	s3 =	simm.s32 $0x108;
	s8 =	sld [smem:$0x3FAC]  }
0x2e: {  	s3 =	simm.s32 @!p0 $0x1082;
	s9 =	sld [smem:$0x3FAD]  }
0x2f: {  	lr =	sadd.s32 s0, s3;
	s0 =	sld [smem:$0x3FA4]  }
0x30: {  	s3 =	sld [smem:$0x3FA7]  }
0x31: {  	[smem:$0x3FB0] =	sst s10  }
0x32: {  	s10 =	sld [smem:$0x3FAE];
	_ =	sdelay $0x3  }
0x33: {  	p0 =	seq.s32 s10, $0x1;
	s10 =	sld [smem:$0x3FB0];
	_ =	sdelay $0x3  }
0x34: {  	[smem:$0x3FB0] =	sst s10  }
0x35: {  	s10 =	sld [smem:$0x3FAF];
	_ =	sdelay $0x3  }
0x36: {  	p1 =	seq.s32 s10, $0x1;
	s10 =	sld [smem:$0x3FB0];
	_ =	sdelay $0x3  }
0x37: {  	[smem:$0x3FB0] =	sst s10  }
0x38: {  	s10 =	sld [smem:$0x3FB1]  }
0x39: {  	_ = 	snop;
	(pc) =	sbr.ind lr, $3  }
0x3a: {  	_ = 	snop  }
0x3b: {  	_ = 	snop  }
0x3c: {  	p2 =	seq.s32 s10, $0x1;
	s10 =	sld [smem:$0x3FB0]  }
0x3d: {  	_ =	shalt  }
0x3e: {  	_ =	shalt  }
0x3f: {  	_ =	shalt  }
0x40: {  	_ =	shalt  }
0x41: {  	_ =	shalt  }
0x42: {  	_ =	shalt  }
0x43: {  	_ =	shalt  }
0x44: {  	_ =	shalt  }
0x45: {  	_ =	shalt  }
0x46: {  	_ =	shalt  }
0x47: {  	_ =	shalt  }
0x48: {  	_ =	shalt  }
0x49: {  	_ =	shalt  }
0x4a: {  	_ =	shalt  }
0x4b: {  	_ =	shalt  }
0x4c: {  	_ =	shalt  }
0x4d: {  	_ =	shalt  }
0x4e: {  	_ =	shalt  }
0x4f: {  	_ =	shalt  }
0x50: {  	_ =	shalt  }
0x51: {  	_ =	shalt  }
0x52: {  	_ =	shalt  }
0x53: {  	_ =	shalt  }
0x54: {  	_ =	shalt  }
0x55: {  	_ =	shalt  }
0x56: {  	_ =	shalt  }
0x57: {  	_ =	shalt  }
0x58: {  	_ =	shalt  }
0x59: {  	_ =	shalt  }
0x5a: {  	_ =	shalt  }
0x5b: {  	_ =	shalt  }
0x5c: {  	_ =	shalt  }
0x5d: {  	_ =	shalt  }
0x5e: {  	_ =	shalt  }
0x5f: {  	_ =	shalt  }
0x60: {  	_ =	shalt  }
0x61: {  	_ =	shalt  }
0x62: {  	_ =	shalt  }
0x63: {  	_ =	shalt  }
0x64: {  	_ =	shalt  }
0x65: {  	_ =	shalt  }
0x66: {  	_ =	shalt  }
0x67: {  	_ =	shalt  }
0x68: {  	_ =	shalt  }
0x69: {  	_ =	shalt  }
0x6a: {  	_ =	shalt  }
0x6b: {  	_ =	shalt  }
0x6c: {  	_ =	shalt  }
0x6d: {  	_ =	shalt  }
0x6e: {  	_ =	shalt  }
0x6f: {  	_ =	shalt  }
0x70: {  	_ =	shalt  }
0x71: {  	_ =	shalt  }
0x72: {  	_ =	shalt  }
0x73: {  	_ =	shalt  }
0x74: {  	_ =	shalt  }
0x75: {  	_ =	shalt  }
0x76: {  	_ =	shalt  }
0x77: {  	_ =	shalt  }
0x78: {  	_ =	shalt  }
0x79: {  	_ =	shalt  }
0x7a: {  	_ =	shalt  }
0x7b: {  	_ =	shalt  }
0x7c: {  	_ =	shalt  }
0x7d: {  	_ =	shalt  }
0x7e: {  	_ =	shalt  }
0x7f: {  	_ =	shalt  }
0x80: {  	_ =	shalt  }
0x81: {  	_ =	shalt  }
0x82: {  	_ =	shalt  }
0x83: {  	_ =	shalt  }
0x84: {  	_ =	shalt  }
0x85: {  	_ =	shalt  }
0x86: {  	_ =	shalt  }
0x87: {  	_ =	shalt  }
.Lfunc_end0:
.L_simem_size_0:
called_computation.2_lowered:
.L_overlay_start_0:
0x88: {  	s2 =	sld [smem:$0x3FD9]  }
0x89: {  	s3 =	sld [smem:$0x3FFE];
	_ =	sdelay $0x1  }
0x8a: {  	s1 =	srdreg.scid  }
0x8b: {  	s0 =	sand.u32 $0x1, s1  }
0x8c: {  	s16 =	sshll.u32 s0, $0xA;
	s2 =	sadd.s32 s3, s2  }
0x8d: {  	s2 =	sadd.s32 s2, s16  }
0x8e: {  	[smem:$0x3FBC] =	sst s2  }
0x8f: {  	_ = 	snop  }
0x90: {  	(tm) =	ssettm $0x1  }
0x91: {  	s17 =	sld [smem:$0x3FFB];
	_ =	sdelay $0x3  }
0x92: {  	_ =	strace s17  }
0x93: {  	s2 =	sld [smem:$0x3FFC];
	_ =	sdelay $0x3  }
0x94: {  	_ =	strace s2  }
0x95: {  	s2 =	sld [smem:$0x3FFD];
	_ =	sdelay $0x3  }
0x96: {  	_ =	strace s2  }
0x97: {  	_ =	strace $0x8FFFFFFF  }
0x98: {  	s18 =	sld [smem:$0x3FDB];
	_ =	sdelay $0x1  }
0x99: {  	s19 =	simm.s32 $_scs_section_size  }
0x9a: {  	s4 =	simm.s32 $_size__tile_overlayer_lowered;
	s5 =	simm.s32 $_tile_overlayer_lowered  }
0x9b: {  	s22 =	simm.s32 $0x1BFF;
	s21 =	sshll.u32 s5, $0x1;
	s2 =	sadd.s32 s19, s18  }
0x9c: {  	s6 =	simm.s32 $0x0;
	s20 =	sshll.u32 s4, $0x1;
	s4 =	sadd.s32 s21, s2  }
0x9d: {  	[timem:s6], [sflag:s22] =	dma.local [hbm:s4], s20  }
0x9e: {  	_ =	swait.ge [sflag:s22], s20  }
0x9f: {  	s3 =	ssub.s32 $0x0, s20;
	[sflag:s22] =	ssyncset.done $0x0  }
0xa0: {  	[sflag:s22] =	ssyncadd.s32 s3;
	_ =	sdelay $0x1  }
0xa1: {  	s23 =	simm.s32 $0x1B8B  }
0xa2: {  	_ =	swait.ge [sflag:s23], $0x1  }
0xa3: {  	[sflag:s23] =	ssyncset.done $0x0  }
0xa4: {  	s25 =	simm.s32 $0x1B8E;
	s24 =	sld [smem:$0x3FFE];
	[sflag:s23] =	ssyncadd.s32 $0xFFFFFFFF  }
0xa5: {  	s26 =	simm.s32 $execute0_lowered;
	[smem:$0x3FD2] =	sst s25  }
0xa6: {  	s4 =	sshll.u32 s26, $0x1;
	_ =	strace $0x8000004C;
	[dreg:$0x1] =	wrdreg $0xFFFFFFFF  }
0xa7: {  	s28 =	simm.s32 $_size_execute0_lowered;
	s2 =	sadd.s32 s2, s4;
	[dreg:$0x0] =	wrdreg $0x0  }
0xa8: {  	s4 =	sshll.u32 s28, $0x1;
	[dreg:$0x2] =	wrdreg s2  }
0xa9: {  	[dreg:$0x3] =	wrdreg s4  }
0xaa: {  	[dreg:$0x4] =	wrdreg $0xC0  }
0xab: {  	_ =	task [dreg:s6], $0x5FFFF  }
0xac: {  	[dreg:$0x1] =	wrdreg $0xFFFFFFFF  }
0xad: {  	[dreg:$0x0] =	wrdreg $0x60  }
0xae: {  	[dreg:$0x2] =	wrdreg s24  }
0xaf: {  	[dreg:$0x3] =	wrdreg $0x29000  }
0xb0: {  	[dreg:$0x4] =	wrdreg $0x9  }
0xb1: {  	_ =	task.clear_ibuf [dreg:s6], $0x5FFFF;
	_ =	strace $0x9000004C  }
0xb2: {  	s29 =	simm.s32 $0x9;
	_ =	strace $0x8000004E  }
0xb3: {  	_ =	swait.ge [sflag:s29], $0x1  }
0xb4: {  	[sflag:s29] =	ssyncadd.s32 $0xFFFFFFFF  }
0xb5: {  	_ =	strace $0x9000004E  }
0xb6: {  	_ =	sfence  }
0xb7: {  	s30 =	sld [smem:$0x0];
	_ =	sdelay $0x2  }
0xb8: {  	s31 =	sshll.u32 s1, $0xD;
	s1 =	sshrl.u32 s1, $0x2  }
0xb9: {  	s3 =	sand.u32 $0x4000, s31;
	s1 =	sadd.s32 s1, s30  }
0xba: {  	s0 =	sor.u32 s3, s0;
	s1 =	sshll.u32 s1, $0x11  }
0xbb: {  	s0 =	sor.u32 s1, s0  }
0xbc: {  	s0 =	sadd.s32 $0x8F2B, s0  }
0xbd: {  	[sflag:s0] =	ssyncadd.remote.s32 $0x1  }
0xbe: {  	_ =	sfence.sel $0xFFFF  }
0xbf: {  	[dreg:$0x0] =	wrdreg $0xFFFFFFFF;
	(pc) =	sbr.abs _section_cstart, $3  }
0xc0: {  	[dreg:$0x1] =	wrdreg $0xFFFFFFFF  }
0xc1: {  	_ =	task.clear_ibuf [dreg:s6], $0x2FFFF;
	_ =	strace $0x9FFFFFFF  }
0xc2: {  	(tm) =	ssettm $0x7FFFFFFF  }
0xc3: {  	_ =	shalt  }
tec
execute0_lowered:
.L_overlay_start_1:
0x0: {  	(tag) =	ssettag $0x1  }
0x1: {  	s0 =	srdreg.scid;
	s6 =	rddreg [dreg:$0x0]  }
0x2: {  	s12 =	stileid.u32;
	s1 =	rddreg [dreg:$0x1];
	s2 =	simm.s32 $0x0  }
0x3: {  	s16 =	simm.s32 $0x50;
	s17 =	simm.s32 $0x100;
	s18 =	simm.s32 $0x1  }
0x4: {  	s4 =	sand.u32 $0x1, s0;
	s3 =	smul.u32 $0x4E20, s12;
	s0 =	rddreg [dreg:$0x2]  }
0x5: {  	s19 =	simm.s32 $0x0;
	[smem:$0x7FF] =	sst s2;
	s7 =	smul.u32 $0x4E000, s12  }
0x6: {  	s8 =	sadd.s32 $0x3F000, s6;
	s10 =	smul.u32 $0x2700, s12;
	s30 =	sshll.u32 s12, $0x6  }
0x7: {  	s15 =	sadd.s32 $0x138000, s1;
	p0 =	sne.s32 s12, $0x0;
	s5 =	smul.u32 $0x2710, s4  }
0x8: {  	_ =	strace $0x8000004D;
	s26 =	ssub.s32 $0x2, s4;
	s29 =	smul.u32 $0x138800, s4  }
0x9: {  	s14 =	smul.u32 $0x27100, s4;
	s9 =	sshrl.u32 s26, $0x1;
	s28 =	sshrl.u32 s7, $0x2  }
0xa: {  	s5 =	sadd.s32 s5, s3;
	s3 =	sadd.s32 $0x17E00, s6;
	s9 =	ssub.s32 s26, s9  }
0xb: {  	s13 =	sadd.s32 s28, s1;
	s7 =	sshrl.u32 s29, $0x3;
	s5 =	sshrl.u32 s5, $0x3  }
0xc: {  	s4 =	sadd.s32 s3, s10;
	s10 =	sadd.s32 s10, s14;
	s31 =	sadd.s32 s8, s7  }
0xd: {  	s9 =	smax.u32 s9, $0x1;
	s12 =	sshrl.u32 s13, $0x3;
	s13 =	simm.s32 $0x2  }
0xe: {  	s14 =	sshrl.u32 @!p0 s15, $0x3;
	s15 =	simm.s32 $0x80;
	s11 =	sadd.s32 s5, s6  }
0xf: {  	s5 =	sor.u32 $0x1C02, s30;
	s6 =	sadd.s32 $0x3EE00, s6;
	s7 =	sadd.s32 s8, s10  }
0x10: {  	s8 =	sadd.s32 $0x27000, s31;
	s10 =	sadd.s32 $0x4200, s11;
	s11 =	sadd.s32 $0xE000, s11  }
.LBB2_1:
0x11: {  	[spmem:s12], [sflag:s5] =	dma.local [hbm:s4], $0x2700  }
0x12: {  	_ =	swait.ge [sflag:s13], $0x2700  }
0x13: {  	[sflag:s13] =	ssyncset.done $0x0  }
0x14: {  	s20 =	simm.s32 @!p0 $0x2;
	[sflag:s13] =	ssyncadd.s32 $0xFFFFD900  }
0x15: {  	[spmem:s14], [sflag:s5] =	dma.local @!p0 [hbm:s6], $0x100  }
0x16: {  	_ =	swait.ge @!p0 [sflag:s20], $0x100  }
0x17: {  	[sflag:s20] =	ssyncset.done @!p0 $0x0  }
0x18: {  	[sflag:s20] =	ssyncadd.s32 @!p0 $0xFFFFFF00  }
0x19: {  	s30 =	sadd.s32 $0x0, s11;
	[bflag:$0x0] =	sbarrier.arrive $0xFFFF  }
0x1a: {  	[tilespmem:s2], [sflag:$0x2] =	stream.linear.gather [hbm4b:s30+s2], $0x50, $0x38;
	[tilespmem:$0x16180] =	vst v63  }
0x1b: {  	_ =	swait.ge [sflag:s13], $0x50  }
0x1c: {  	[sflag:s13] =	ssyncset.done $0x0  }
0x1d: {  	s31 =	sadd.s32 $0x0, s10;
	[sflag:s13] =	ssyncadd.s32 $0xFFFFFFB0  }
0x1e: {  	[tilespmem:s15], [sflag:$0x2] =	stream.linear.gather [hbm4b:s31+s2], $0x50, $0x38;
	[tilespmem:$0x16180] =	vst v63  }
0x1f: {  	_ =	swait.ge [sflag:s13], $0x50  }
0x20: {  	[sflag:s13] =	ssyncset.done $0x0  }
0x21: {  	[sflag:s13] =	ssyncadd.s32 $0xFFFFFFB0  }
0x22: {  	[tilespmem:s17], [sflag:$0x1] =	stream.indirect.gather [hbm4b:s3+s16], $0x80, s2, s16, $0xb8;
	[tilespmem:$0x16180] =	vst v63  }
0x23: {  	_ =	swait.ge [sflag:s18], $0x2800  }
0x24: {  	[sflag:s18] =	ssyncset.done $0x0  }
0x25: {  	[sflag:s18] =	ssyncadd.s32 $0xFFFFD800  }
0x26: {  	[spmem:s1] =	stream.indirect.scatter.add.f32 [tilespmem:s17], [sflag:$0x2], $0x80, s15, s16, $0xb8;
	[tilespmem:$0x16180] =	vst v63  }
0x27: {  	_ =	swait.ge [sflag:s13], $0x2800  }
0x28: {  	s21 =	simm.s32 $0x14;
	s20 =	simm.s32 $0xA;
	[sflag:s13] =	ssyncset.done $0x0  }
.LBB2_2:
0x29: {  	s22 =	sadd.s32 s20, s11  }
0x2a: {  	[sflag:s13] =	ssyncadd.s32 $0xFFFFD800;
	s23 =	smov.u32 s21;
	s24 =	sadd.s32 $0xA, s21  }
0x2b: {  	[tilespmem:s2], [sflag:$0x2] =	stream.linear.gather [hbm4b:s22+s2], $0x50, $0x38;
	[tilespmem:$0x16180] =	vst v63  }
0x2c: {  	p1 =	sne.s32 s21, $0x4D8;
	_ =	swait.ge [sflag:s13], $0x50  }
0x2d: {  	[sflag:s13] =	ssyncset.done $0x0  }
0x2e: {  	s21 =	sadd.s32 s20, s10;
	s20 =	smov.u32 s23;
	[sflag:s13] =	ssyncadd.s32 $0xFFFFFFB0  }
0x2f: {  	[tilespmem:s15], [sflag:$0x2] =	stream.linear.gather [hbm4b:s21+s2], $0x50, $0x38;
	[tilespmem:$0x16180] =	vst v63  }
0x30: {  	_ =	swait.ge [sflag:s13], $0x50  }
0x31: {  	[sflag:s13] =	ssyncset.done $0x0  }
0x32: {  	[sflag:s13] =	ssyncadd.s32 $0xFFFFFFB0  }
0x33: {  	[tilespmem:s17], [sflag:$0x1] =	stream.indirect.gather [hbm4b:s3+s16], $0x80, s2, s16, $0xb8;
	[tilespmem:$0x16180] =	vst v63  }
0x34: {  	_ =	swait.ge [sflag:s18], $0x2800  }
.Ltmp0:
0x35: {  	[sflag:s18] =	ssyncset.done $0x0;
	(pc) =	sbr.rel @p1 .LBB2_2-.Ltmp0, $4  }
0x36: {  	[sflag:s18] =	ssyncadd.s32 $0xFFFFD800  }
0x37: {  	[spmem:s1] =	stream.indirect.scatter.add.f32 [tilespmem:s17], [sflag:$0x2], $0x80, s15, s16, $0xb8;
	[tilespmem:$0x16180] =	vst v63  }
0x38: {  	_ =	swait.ge [sflag:s13], $0x2800  }
0x39: {  	s21 =	smov.u32 s24;
	[sflag:s13] =	ssyncset.done $0x0  }
0x3a: {  	s21 =	sadd.s32 s20, s11;
	[sflag:s13] =	ssyncadd.s32 $0xFFFFD800  }
0x3b: {  	[tilespmem:s2], [sflag:$0x2] =	stream.linear.gather [hbm4b:s21+s2], $0x50, $0x38;
	[tilespmem:$0x16180] =	vst v63  }
0x3c: {  	_ =	swait.ge [sflag:s13], $0x50  }
0x3d: {  	[sflag:s13] =	ssyncset.done $0x0  }
0x3e: {  	s31 =	sadd.s32 s20, s10;
	[sflag:s13] =	ssyncadd.s32 $0xFFFFFFB0  }
0x3f: {  	[tilespmem:s15], [sflag:$0x2] =	stream.linear.gather [hbm4b:s31+s2], $0x50, $0x38;
	[tilespmem:$0x16180] =	vst v63  }
0x40: {  	_ =	swait.ge [sflag:s13], $0x50  }
0x41: {  	[sflag:s13] =	ssyncset.done $0x0  }
0x42: {  	[sflag:s13] =	ssyncadd.s32 $0xFFFFFFB0  }
0x43: {  	[tilespmem:s17], [sflag:$0x1] =	stream.indirect.gather [hbm4b:s3+s16], $0x80, s2, s16, $0xb8;
	[tilespmem:$0x16180] =	vst v63  }
0x44: {  	_ =	swait.ge [sflag:s18], $0x2800  }
0x45: {  	[sflag:s18] =	ssyncset.done $0x0  }
0x46: {  	[sflag:s18] =	ssyncadd.s32 $0xFFFFD800  }
0x47: {  	[spmem:s1] =	stream.indirect.scatter.add.f32 [tilespmem:s17], [sflag:$0x2], $0x80, s15, s16, $0xb8;
	[tilespmem:$0x16180] =	vst v63  }
0x48: {  	_ =	swait.ge [sflag:s13], $0x2800  }
0x49: {  	[sflag:s13] =	ssyncset.done $0x0  }
0x4a: {  	[sflag:s13] =	ssyncadd.s32 $0xFFFFD800  }
0x4b: {  	[bflag:$0x0] =	sbarrier.arrive $0xFFFF  }
0x4c: {  	[hbm:s7], [sflag:s5] =	dma.local [spmem:s12], $0x2700  }
0x4d: {  	s19 =	sadd.s32 $0x1, s19;
	_ =	swait.ge [sflag:s13], $0x2700  }
0x4e: {  	p1 =	sne.s32 s19, s9;
	[sflag:s13] =	ssyncset.done $0x0  }
.Ltmp1:
0x4f: {  	s20 =	simm.s32 @!p0 $0x2;
	[sflag:s13] =	ssyncadd.s32 $0xFFFFD900;
	(pc) =	sbr.rel @p1 .LBB2_1-.Ltmp1, $4  }
0x50: {  	[hbm:s8], [sflag:s5] =	dma.local @!p0 [spmem:s14], $0x100  }
0x51: {  	_ =	swait.ge @!p0 [sflag:s20], $0x100  }
0x52: {  	[sflag:s20] =	ssyncset.done @!p0 $0x0  }
0x53: {  	[sflag:s20] =	ssyncadd.s32 @!p0 $0xFFFFFF00  }
0x54: {  	_ =	sfence.sel $0x180000  }
0x55: {  	[bflag:$0x0] =	sbarrier.arrive $0xFFFF  }
0x56: {  	_ =	strace $0x9000004D  }
0x57: {  	s0 =	sadd.s32 @!p0 $0x100000, s0;
	[bflag:$0x2] =	sbarrier.arrive $0xFFFF  }
0x58: {  	[sflag:s0] =	ssyncadd.tile.s32 @!p0 $0x1;
	_ =	shalt  }
.Lfunc_end2:
_tile_overlayer_lowered:
.L_overlay_start_2:
0x59: {  	(tag) =	ssettag $0x2  }
0x5a: {  	s0 =	rddreg [dreg:$0x0];
	s2 =	stileid.u32  }
0x5b: {  	s1 =	rddreg [dreg:$0x1];
	p0 =	sne.s32 s2, $0x0  }
0x5c: {  	s3 =	rddreg [dreg:$0x2];
	[bflag:$0x3] =	sbarrier.arrive $0xFFFF;
	s2 =	simm.s32 @!p0 $0x1C02  }
0x5d: {  	[timem:s3], [sflag:s2] =	dma.local @!p0 [hbm:s0], s1  }
0x5e: {  	s0 =	simm.s32 @!p0 $0x2  }
0x5f: {  	_ =	swait.ge @!p0 [sflag:s0], s1  }
0x60: {  	s1 =	ssub.s32 @!p0 $0x0, s1;
	[sflag:s0] =	ssyncset.done @!p0 $0x0  }
0x61: {  	[sflag:s0] =	ssyncadd.s32 @!p0 s1  }
0x62: {  	[bflag:$0x3] =	sbarrier.arrive $0xFFFF  }
0x63: {  	_ =	shalt  }

// kernel: kernel.8.cloned.1.call-start
scs
__scs_entry_jumppad:
0x0: {  	(pc) =	sbr.rel $0x88, $3  }
0x1: {  	(tag) =	ssettag $0x0;
	lr =	simm.s32 $0x1  }
0x2: {  	[smem:$0x3F95] =	sst lr;
	_ =	strace $0xD0000000  }
0x3: {  	_ = 	snop  }
0x4: {  	_ = 	snop  }
0x5: {  	_ = 	snop  }
0x6: {  	_ = 	snop  }
0x7: {  	_ = 	snop  }
__scs_overlays_trampoline_lowered:
0x8: {  	[smem:$0x3FA4] =	sst s0  }
0x9: {  	[smem:$0x3FA5] =	sst s1  }
0xa: {  	[smem:$0x3FA6] =	sst s2  }
0xb: {  	[smem:$0x3FA7] =	sst s3  }
0xc: {  	[smem:$0x3FA8] =	sst s4  }
0xd: {  	[smem:$0x3FA9] =	sst s5  }
0xe: {  	[smem:$0x3FAA] =	sst s6  }
0xf: {  	[smem:$0x3FAB] =	sst s7  }
0x10: {  	[smem:$0x3FAC] =	sst s8  }
0x11: {  	[smem:$0x3FAD] =	sst s9;
	s0 =	simm.s32 @!p0 $0x0  }
0x12: {  	s1 =	sld [smem:$0x3F93];
	s0 =	simm.s32 @p0 $0x1  }
0x13: {  	[smem:$0x3FAE] =	sst s0;
	s0 =	simm.s32 @!p1 $0x0  }
0x14: {  	s2 =	sld [smem:$0x3F92];
	s0 =	simm.s32 @p1 $0x1  }
0x15: {  	[smem:$0x3FAF] =	sst s0;
	s0 =	simm.s32 @!p2 $0x0  }
0x16: {  	s3 =	sld [smem:$0x3FDB];
	s0 =	simm.s32 @p2 $0x1  }
0x17: {  	s4 =	simm.s32 $0x1BF5;
	[smem:$0x3FB1] =	sst s0  }
0x18: {  	s0 =	sld [smem:$0x3F94];
	_ =	swait.ge [sflag:s4], $0x0  }
0x19: {  	s7 =	sld [smem:$0x3F95]  }
0x1a: {  	s8 =	sadd.s32 $0xFFFFE003, lr  }
0x1b: {  	s9 =	sadd.s32 $0xFFFFFEF7, lr;
	s5 =	simm.s32 $0xFFFFFFFF;
	p2 =	slt.u32 s8, $0xFFFFF086  }
0x1c: {  	p1 =	slt.u32 s9, $0xF7A;
	s5 =	simm.s32 @!p2 $0x0  }
0x1d: {  	s5 =	simm.s32 @p1 $0x1;
	p0 =	seq.s32 s7, s2  }
0x1e: {  	s7 =	smul.u32 @!p0 $0xF7A, s2;
	p2 =	seq.s32 @!p0 s5, $0x0  }
0x1f: {  	s9 =	smul.u32 $0xF7A, s1;
	s8 =	simm.s32 @!p0 $0x1BF5;
	p2 =	por !p2, p0  }
0x20: {  	[sflag:s8] =	ssyncset.s32 @!p0 $0xFFFFF086;
	s6 =	sadd.s32 @!p0 s3, s7;
	s7 =	simm.s32 @!p0 $0x108  }
0x21: {  	s3 =	sadd.s32 s3, s9;
	s6 =	sadd.s32 @!p0 $0x88, s6;
	s7 =	simm.s32 @p2 $0x1082  }
0x22: {  	[simem:s7], [sflag:s8] =	dma.local @!p0 [hbm:s6], $0xF7A  }
0x23: {  	s9 =	sor.u32 $0xD0000000, s2;
	s6 =	simm.s32 $0x108;
	_ =	swait.ge @!p0 [sflag:s8], $0x0  }
0x24: {  	s3 =	sadd.s32 $0x88, s3;
	s6 =	simm.s32 @!p1 $0x1082;
	[sflag:s4] =	ssyncset.s32 $0xFFFFF086  }
0x25: {  	[simem:s6], [sflag:s4] =	dma.local [hbm:s3], $0xF7A  }
0x26: {  	[smem:$0x3F95] =	sst s1;
	(tag) =	ssettag s2;
	_ =	strace s9  }
0x27: {  	s1 =	sld [smem:$0x3FA5]  }
0x28: {  	s2 =	sld [smem:$0x3FA6]  }
0x29: {  	s4 =	sld [smem:$0x3FA8]  }
0x2a: {  	p0 =	seq.s32 s5, $0x0;
	s5 =	sld [smem:$0x3FA9]  }
0x2b: {  	s6 =	sld [smem:$0x3FAA]  }
0x2c: {  	s7 =	sld [smem:$0x3FAB]  }
0x2d: {  	s3 =	simm.s32 $0x108;
	s8 =	sld [smem:$0x3FAC]  }
0x2e: {  	s3 =	simm.s32 @!p0 $0x1082;
	s9 =	sld [smem:$0x3FAD]  }
0x2f: {  	lr =	sadd.s32 s0, s3;
	s0 =	sld [smem:$0x3FA4]  }
0x30: {  	s3 =	sld [smem:$0x3FA7]  }
0x31: {  	[smem:$0x3FB0] =	sst s10  }
0x32: {  	s10 =	sld [smem:$0x3FAE];
	_ =	sdelay $0x3  }
0x33: {  	p0 =	seq.s32 s10, $0x1;
	s10 =	sld [smem:$0x3FB0];
	_ =	sdelay $0x3  }
0x34: {  	[smem:$0x3FB0] =	sst s10  }
0x35: {  	s10 =	sld [smem:$0x3FAF];
	_ =	sdelay $0x3  }
0x36: {  	p1 =	seq.s32 s10, $0x1;
	s10 =	sld [smem:$0x3FB0];
	_ =	sdelay $0x3  }
0x37: {  	[smem:$0x3FB0] =	sst s10  }
0x38: {  	s10 =	sld [smem:$0x3FB1]  }
0x39: {  	_ = 	snop;
	(pc) =	sbr.ind lr, $3  }
0x3a: {  	_ = 	snop  }
0x3b: {  	_ = 	snop  }
0x3c: {  	p2 =	seq.s32 s10, $0x1;
	s10 =	sld [smem:$0x3FB0]  }
0x3d: {  	_ =	shalt  }
0x3e: {  	_ =	shalt  }
0x3f: {  	_ =	shalt  }
0x40: {  	_ =	shalt  }
0x41: {  	_ =	shalt  }
0x42: {  	_ =	shalt  }
0x43: {  	_ =	shalt  }
0x44: {  	_ =	shalt  }
0x45: {  	_ =	shalt  }
0x46: {  	_ =	shalt  }
0x47: {  	_ =	shalt  }
0x48: {  	_ =	shalt  }
0x49: {  	_ =	shalt  }
0x4a: {  	_ =	shalt  }
0x4b: {  	_ =	shalt  }
0x4c: {  	_ =	shalt  }
0x4d: {  	_ =	shalt  }
0x4e: {  	_ =	shalt  }
0x4f: {  	_ =	shalt  }
0x50: {  	_ =	shalt  }
0x51: {  	_ =	shalt  }
0x52: {  	_ =	shalt  }
0x53: {  	_ =	shalt  }
0x54: {  	_ =	shalt  }
0x55: {  	_ =	shalt  }
0x56: {  	_ =	shalt  }
0x57: {  	_ =	shalt  }
0x58: {  	_ =	shalt  }
0x59: {  	_ =	shalt  }
0x5a: {  	_ =	shalt  }
0x5b: {  	_ =	shalt  }
0x5c: {  	_ =	shalt  }
0x5d: {  	_ =	shalt  }
0x5e: {  	_ =	shalt  }
0x5f: {  	_ =	shalt  }
0x60: {  	_ =	shalt  }
0x61: {  	_ =	shalt  }
0x62: {  	_ =	shalt  }
0x63: {  	_ =	shalt  }
0x64: {  	_ =	shalt  }
0x65: {  	_ =	shalt  }
0x66: {  	_ =	shalt  }
0x67: {  	_ =	shalt  }
0x68: {  	_ =	shalt  }
0x69: {  	_ =	shalt  }
0x6a: {  	_ =	shalt  }
0x6b: {  	_ =	shalt  }
0x6c: {  	_ =	shalt  }
0x6d: {  	_ =	shalt  }
0x6e: {  	_ =	shalt  }
0x6f: {  	_ =	shalt  }
0x70: {  	_ =	shalt  }
0x71: {  	_ =	shalt  }
0x72: {  	_ =	shalt  }
0x73: {  	_ =	shalt  }
0x74: {  	_ =	shalt  }
0x75: {  	_ =	shalt  }
0x76: {  	_ =	shalt  }
0x77: {  	_ =	shalt  }
0x78: {  	_ =	shalt  }
0x79: {  	_ =	shalt  }
0x7a: {  	_ =	shalt  }
0x7b: {  	_ =	shalt  }
0x7c: {  	_ =	shalt  }
0x7d: {  	_ =	shalt  }
0x7e: {  	_ =	shalt  }
0x7f: {  	_ =	shalt  }
0x80: {  	_ =	shalt  }
0x81: {  	_ =	shalt  }
0x82: {  	_ =	shalt  }
0x83: {  	_ =	shalt  }
0x84: {  	_ =	shalt  }
0x85: {  	_ =	shalt  }
0x86: {  	_ =	shalt  }
0x87: {  	_ =	shalt  }
.Lfunc_end0:
.L_simem_size_0:
called_computation_lowered:
.L_overlay_start_0:
0x88: {  	s2 =	sld [smem:$0x3FD9]  }
0x89: {  	s3 =	sld [smem:$0x3FFE];
	_ =	sdelay $0x1  }
0x8a: {  	s1 =	srdreg.scid  }
0x8b: {  	s0 =	sand.u32 $0x1, s1  }
0x8c: {  	s17 =	sshll.u32 s0, $0xA;
	s2 =	sadd.s32 s3, s2  }
0x8d: {  	s2 =	sadd.s32 s2, s17  }
0x8e: {  	[smem:$0x3FBC] =	sst s2  }
0x8f: {  	_ = 	snop  }
0x90: {  	s2 =	sld [smem:$0x3FC9];
	(tm) =	ssettm $0x1  }
0x91: {  	s18 =	sld [smem:$0x3FFB];
	_ =	sdelay $0x3  }
0x92: {  	_ =	strace s18  }
0x93: {  	s3 =	sld [smem:$0x3FFC];
	_ =	sdelay $0x3  }
0x94: {  	_ =	strace s3  }
0x95: {  	s3 =	sld [smem:$0x3FFD];
	_ =	sdelay $0x3  }
0x96: {  	_ =	strace s3  }
0x97: {  	_ =	strace $0x8FFFFFFF  }
0x98: {  	s19 =	sld [smem:$0x3FDB];
	_ =	sdelay $0x1  }
0x99: {  	s4 =	simm.s32 $_scs_section_size  }
0x9a: {  	s5 =	simm.s32 $_size__tile_overlayer_lowered;
	s6 =	simm.s32 $_tile_overlayer_lowered  }
0x9b: {  	s22 =	simm.s32 $0x1BFF;
	s21 =	sshll.u32 s6, $0x1;
	s3 =	sadd.s32 s4, s19  }
0x9c: {  	s7 =	simm.s32 $0x0;
	s20 =	sshll.u32 s5, $0x1;
	s5 =	sadd.s32 s21, s3  }
0x9d: {  	[timem:s7], [sflag:s22] =	dma.local [hbm:s5], s20  }
0x9e: {  	_ =	swait.ge [sflag:s22], s20  }
0x9f: {  	s4 =	ssub.s32 $0x0, s20;
	[sflag:s22] =	ssyncset.done $0x0  }
0xa0: {  	[sflag:s22] =	ssyncadd.s32 s4;
	_ =	sdelay $0x1  }
0xa1: {  	s23 =	simm.s32 $0x1B8B  }
0xa2: {  	_ =	swait.ge [sflag:s23], $0x1  }
0xa3: {  	[sflag:s23] =	ssyncset.done $0x0  }
0xa4: {  	s25 =	simm.s32 $0x1B8E;
	s24 =	sld [smem:$0x3FFE];
	[sflag:s23] =	ssyncadd.s32 $0xFFFFFFFF  }
0xa5: {  	s26 =	simm.s32 $execute0_lowered;
	[smem:$0x3FD2] =	sst s25  }
0xa6: {  	s5 =	sshll.u32 s26, $0x1;
	_ =	strace $0x80000046;
	[dreg:$0x1] =	wrdreg $0xFFFFFFFF  }
0xa7: {  	s28 =	simm.s32 $_size_execute0_lowered;
	s3 =	sadd.s32 s3, s5;
	[dreg:$0x0] =	wrdreg $0x0  }
0xa8: {  	s5 =	sshll.u32 s28, $0x1;
	[dreg:$0x2] =	wrdreg s3  }
0xa9: {  	[dreg:$0x3] =	wrdreg s5  }
0xaa: {  	[dreg:$0x4] =	wrdreg $0xC0  }
0xab: {  	_ =	task [dreg:s7], $0x5FFFF  }
0xac: {  	[dreg:$0x1] =	wrdreg $0xFFFFFFFF  }
0xad: {  	[dreg:$0x0] =	wrdreg $0x60  }
0xae: {  	[dreg:$0x2] =	wrdreg s2  }
0xaf: {  	[dreg:$0x3] =	wrdreg s24  }
0xb0: {  	[dreg:$0x4] =	wrdreg $0x29000  }
0xb1: {  	[dreg:$0x5] =	wrdreg $0x9  }
0xb2: {  	_ =	task.clear_ibuf [dreg:s7], $0x6FFFF;
	_ =	strace $0x90000046  }
0xb3: {  	s29 =	simm.s32 $0x9;
	_ =	strace $0x80000048  }
0xb4: {  	_ =	swait.ge [sflag:s29], $0x1  }
0xb5: {  	[sflag:s29] =	ssyncadd.s32 $0xFFFFFFFF  }
0xb6: {  	_ =	strace $0x90000048  }
0xb7: {  	_ =	sfence  }
0xb8: {  	s30 =	sld [smem:$0x0];
	_ =	sdelay $0x2  }
0xb9: {  	s31 =	sshll.u32 s1, $0xD;
	s1 =	sshrl.u32 s1, $0x2  }
0xba: {  	s3 =	sand.u32 $0x4000, s31;
	s1 =	sadd.s32 s1, s30  }
0xbb: {  	s0 =	sor.u32 s3, s0;
	s1 =	sshll.u32 s1, $0x11  }
0xbc: {  	s0 =	sor.u32 s1, s0  }
0xbd: {  	s0 =	sadd.s32 $0x8F2B, s0  }
0xbe: {  	[sflag:s0] =	ssyncadd.remote.s32 $0x1  }
0xbf: {  	_ =	sfence.sel $0xFFFF  }
0xc0: {  	[dreg:$0x0] =	wrdreg $0xFFFFFFFF;
	(pc) =	sbr.abs _section_cstart, $3  }
0xc1: {  	[dreg:$0x1] =	wrdreg $0xFFFFFFFF  }
0xc2: {  	_ =	task.clear_ibuf [dreg:s7], $0x2FFFF;
	_ =	strace $0x9FFFFFFF  }
0xc3: {  	(tm) =	ssettm $0x7FFFFFFF  }
tec
execute0_lowered:
.L_overlay_start_1:
0x0: {  	(tag) =	ssettag $0x1  }
0x1: {  	s0 =	rddreg [dreg:$0x0]  }
0x2: {  	s1 =	srdreg.scid;
	s4 =	rddreg [dreg:$0x1]  }
0x3: {  	s12 =	stileid.u32;
	s2 =	rddreg [dreg:$0x2]  }
0x4: {  	s3 =	simm.s32 $0x0;
	s16 =	simm.s32 $0x50;
	s17 =	simm.s32 $0x100  }
0x5: {  	s18 =	simm.s32 $0x1;
	s19 =	simm.s32 $0x0;
	s6 =	smul.u32 $0x4E20, s12  }
0x6: {  	s5 =	sand.u32 $0x1, s1;
	s1 =	rddreg [dreg:$0x3];
	s24 =	smul.u32 $0x4E000, s12  }
0x7: {  	[smem:$0x7FF] =	sst s3;
	s8 =	sadd.s32 $0x17E00, s4;
	s9 =	smul.u32 $0x2700, s12  }
0x8: {  	s29 =	sshll.u32 s12, $0x6;
	s15 =	sadd.s32 $0x138000, s2;
	s7 =	smul.u32 $0x2710, s5  }
0x9: {  	p0 =	sne.s32 s12, $0x0;
	_ =	strace $0x80000047;
	s28 =	smul.u32 $0x138800, s5  }
0xa: {  	s23 =	ssub.s32 $0x2, s5;
	s14 =	smul.u32 $0x27100, s5;
	s5 =	sor.u32 $0x1C02, s29  }
0xb: {  	s25 =	sshrl.u32 s23, $0x1;
	s26 =	sshrl.u32 s24, $0x2;
	s6 =	sadd.s32 s7, s6  }
0xc: {  	s10 =	ssub.s32 s23, s25;
	s13 =	sadd.s32 s26, s2;
	s30 =	sadd.s32 s9, s14  }
0xd: {  	s14 =	sshrl.u32 @!p0 s15, $0x3;
	s15 =	simm.s32 $0x80;
	s6 =	sshrl.u32 s6, $0x3  }
0xe: {  	s7 =	sadd.s32 s8, s30;
	s12 =	sshrl.u32 s13, $0x3;
	s13 =	simm.s32 $0x2  }
0xf: {  	s11 =	sadd.s32 s6, s4;
	s4 =	sadd.s32 s0, s9;
	s6 =	sshrl.u32 s28, $0x3  }
0x10: {  	s9 =	smax.u32 s10, $0x1;
	s31 =	sadd.s32 s8, s6;
	s6 =	sadd.s32 $0x27000, s0  }
0x11: {  	s10 =	sadd.s32 $0x4200, s11;
	s11 =	sadd.s32 $0xE000, s11;
	s8 =	sadd.s32 $0x27000, s31  }
.LBB2_1:
0x12: {  	[spmem:s12], [sflag:s5] =	dma.local [hbm:s4], $0x2700  }
0x13: {  	_ =	swait.ge [sflag:s13], $0x2700  }
0x14: {  	[sflag:s13] =	ssyncset.done $0x0  }
0x15: {  	s20 =	simm.s32 @!p0 $0x2;
	[sflag:s13] =	ssyncadd.s32 $0xFFFFD900  }
0x16: {  	[spmem:s14], [sflag:s5] =	dma.local @!p0 [hbm:s6], $0x100  }
0x17: {  	_ =	swait.ge @!p0 [sflag:s20], $0x100  }
0x18: {  	[sflag:s20] =	ssyncset.done @!p0 $0x0  }
0x19: {  	[sflag:s20] =	ssyncadd.s32 @!p0 $0xFFFFFF00  }
0x1a: {  	s30 =	sadd.s32 $0x0, s11;
	[bflag:$0x0] =	sbarrier.arrive $0xFFFF  }
0x1b: {  	[tilespmem:s3], [sflag:$0x2] =	stream.linear.gather [hbm4b:s30+s3], $0x50, $0x38;
	[tilespmem:$0x16180] =	vst v63  }
0x1c: {  	_ =	swait.ge [sflag:s13], $0x50  }
0x1d: {  	[sflag:s13] =	ssyncset.done $0x0  }
0x1e: {  	s31 =	sadd.s32 $0x0, s10;
	[sflag:s13] =	ssyncadd.s32 $0xFFFFFFB0  }
0x1f: {  	[tilespmem:s15], [sflag:$0x2] =	stream.linear.gather [hbm4b:s31+s3], $0x50, $0x38;
	[tilespmem:$0x16180] =	vst v63  }
0x20: {  	_ =	swait.ge [sflag:s13], $0x50  }
0x21: {  	[sflag:s13] =	ssyncset.done $0x0  }
0x22: {  	[sflag:s13] =	ssyncadd.s32 $0xFFFFFFB0  }
0x23: {  	[tilespmem:s17], [sflag:$0x1] =	stream.indirect.gather [hbm4b:s0+s16], $0x80, s3, s16, $0xb8;
	[tilespmem:$0x16180] =	vst v63  }
0x24: {  	_ =	swait.ge [sflag:s18], $0x2800  }
0x25: {  	[sflag:s18] =	ssyncset.done $0x0  }
0x26: {  	[sflag:s18] =	ssyncadd.s32 $0xFFFFD800  }
0x27: {  	[spmem:s2] =	stream.indirect.scatter.add.f32 [tilespmem:s17], [sflag:$0x2], $0x80, s15, s16, $0xb8;
	[tilespmem:$0x16180] =	vst v63  }
0x28: {  	_ =	swait.ge [sflag:s13], $0x2800  }
0x29: {  	s21 =	simm.s32 $0x14;
	s20 =	simm.s32 $0xA;
	[sflag:s13] =	ssyncset.done $0x0  }
.LBB2_2:
0x2a: {  	s22 =	sadd.s32 s20, s11  }
0x2b: {  	[sflag:s13] =	ssyncadd.s32 $0xFFFFD800;
	s23 =	smov.u32 s21;
	s24 =	sadd.s32 $0xA, s21  }
0x2c: {  	[tilespmem:s3], [sflag:$0x2] =	stream.linear.gather [hbm4b:s22+s3], $0x50, $0x38;
	[tilespmem:$0x16180] =	vst v63  }
0x2d: {  	p1 =	sne.s32 s21, $0x4D8;
	_ =	swait.ge [sflag:s13], $0x50  }
0x2e: {  	[sflag:s13] =	ssyncset.done $0x0  }
0x2f: {  	s21 =	sadd.s32 s20, s10;
	s20 =	smov.u32 s23;
	[sflag:s13] =	ssyncadd.s32 $0xFFFFFFB0  }
0x30: {  	[tilespmem:s15], [sflag:$0x2] =	stream.linear.gather [hbm4b:s21+s3], $0x50, $0x38;
	[tilespmem:$0x16180] =	vst v63  }
0x31: {  	_ =	swait.ge [sflag:s13], $0x50  }
0x32: {  	[sflag:s13] =	ssyncset.done $0x0  }
0x33: {  	[sflag:s13] =	ssyncadd.s32 $0xFFFFFFB0  }
0x34: {  	[tilespmem:s17], [sflag:$0x1] =	stream.indirect.gather [hbm4b:s0+s16], $0x80, s3, s16, $0xb8;
	[tilespmem:$0x16180] =	vst v63  }
0x35: {  	_ =	swait.ge [sflag:s18], $0x2800  }
.Ltmp0:
0x36: {  	[sflag:s18] =	ssyncset.done $0x0;
	(pc) =	sbr.rel @p1 .LBB2_2-.Ltmp0, $4  }
0x37: {  	[sflag:s18] =	ssyncadd.s32 $0xFFFFD800  }
0x38: {  	[spmem:s2] =	stream.indirect.scatter.add.f32 [tilespmem:s17], [sflag:$0x2], $0x80, s15, s16, $0xb8;
	[tilespmem:$0x16180] =	vst v63  }
0x39: {  	_ =	swait.ge [sflag:s13], $0x2800  }
0x3a: {  	s21 =	smov.u32 s24;
	[sflag:s13] =	ssyncset.done $0x0  }
0x3b: {  	s21 =	sadd.s32 s20, s11;
	[sflag:s13] =	ssyncadd.s32 $0xFFFFD800  }
0x3c: {  	[tilespmem:s3], [sflag:$0x2] =	stream.linear.gather [hbm4b:s21+s3], $0x50, $0x38;
	[tilespmem:$0x16180] =	vst v63  }
0x3d: {  	_ =	swait.ge [sflag:s13], $0x50  }
0x3e: {  	[sflag:s13] =	ssyncset.done $0x0  }
0x3f: {  	s31 =	sadd.s32 s20, s10;
	[sflag:s13] =	ssyncadd.s32 $0xFFFFFFB0  }
0x40: {  	[tilespmem:s15], [sflag:$0x2] =	stream.linear.gather [hbm4b:s31+s3], $0x50, $0x38;
	[tilespmem:$0x16180] =	vst v63  }
0x41: {  	_ =	swait.ge [sflag:s13], $0x50  }
0x42: {  	[sflag:s13] =	ssyncset.done $0x0  }
0x43: {  	[sflag:s13] =	ssyncadd.s32 $0xFFFFFFB0  }
0x44: {  	[tilespmem:s17], [sflag:$0x1] =	stream.indirect.gather [hbm4b:s0+s16], $0x80, s3, s16, $0xb8;
	[tilespmem:$0x16180] =	vst v63  }
0x45: {  	_ =	swait.ge [sflag:s18], $0x2800  }
0x46: {  	[sflag:s18] =	ssyncset.done $0x0  }
0x47: {  	[sflag:s18] =	ssyncadd.s32 $0xFFFFD800  }
0x48: {  	[spmem:s2] =	stream.indirect.scatter.add.f32 [tilespmem:s17], [sflag:$0x2], $0x80, s15, s16, $0xb8;
	[tilespmem:$0x16180] =	vst v63  }
0x49: {  	_ =	swait.ge [sflag:s13], $0x2800  }
0x4a: {  	[sflag:s13] =	ssyncset.done $0x0  }
0x4b: {  	[sflag:s13] =	ssyncadd.s32 $0xFFFFD800  }
0x4c: {  	[bflag:$0x0] =	sbarrier.arrive $0xFFFF  }
0x4d: {  	[hbm:s7], [sflag:s5] =	dma.local [spmem:s12], $0x2700  }
0x4e: {  	s19 =	sadd.s32 $0x1, s19;
	_ =	swait.ge [sflag:s13], $0x2700  }
0x4f: {  	p1 =	sne.s32 s19, s9;
	[sflag:s13] =	ssyncset.done $0x0  }
.Ltmp1:
0x50: {  	s20 =	simm.s32 @!p0 $0x2;
	[sflag:s13] =	ssyncadd.s32 $0xFFFFD900;
	(pc) =	sbr.rel @p1 .LBB2_1-.Ltmp1, $4  }
0x51: {  	[hbm:s8], [sflag:s5] =	dma.local @!p0 [spmem:s14], $0x100  }
0x52: {  	_ =	swait.ge @!p0 [sflag:s20], $0x100  }
0x53: {  	[sflag:s20] =	ssyncset.done @!p0 $0x0  }
0x54: {  	[sflag:s20] =	ssyncadd.s32 @!p0 $0xFFFFFF00  }
0x55: {  	_ =	sfence.sel $0x180000  }
0x56: {  	[bflag:$0x0] =	sbarrier.arrive $0xFFFF  }
0x57: {  	_ =	strace $0x90000047  }
0x58: {  	s0 =	sadd.s32 @!p0 $0x100000, s1;
	[bflag:$0x2] =	sbarrier.arrive $0xFFFF  }
0x59: {  	[sflag:s0] =	ssyncadd.tile.s32 @!p0 $0x1;
	_ =	shalt  }
.Lfunc_end2:
_tile_overlayer_lowered:
.L_overlay_start_2:
0x5a: {  	(tag) =	ssettag $0x2  }
0x5b: {  	s0 =	rddreg [dreg:$0x0];
	s2 =	stileid.u32  }
0x5c: {  	s1 =	rddreg [dreg:$0x1];
	p0 =	sne.s32 s2, $0x0  }
0x5d: {  	s3 =	rddreg [dreg:$0x2];
	[bflag:$0x3] =	sbarrier.arrive $0xFFFF;
	s2 =	simm.s32 @!p0 $0x1C02  }
0x5e: {  	[timem:s3], [sflag:s2] =	dma.local @!p0 [hbm:s0], s1  }
0x5f: {  	s0 =	simm.s32 @!p0 $0x2  }
0x60: {  	_ =	swait.ge @!p0 [sflag:s0], s1  }
0x61: {  	s1 =	ssub.s32 @!p0 $0x0, s1;
	[sflag:s0] =	ssyncset.done @!p0 $0x0  }
0x62: {  	[sflag:s0] =	ssyncadd.s32 @!p0 s1  }
0x63: {  	[bflag:$0x3] =	sbarrier.arrive $0xFFFF  }
0x64: {  	_ =	shalt  }

</sc_bundles>
